<compile_context>
chip_gen: v7x
topology: tpu7x:2x2x1
jax: 0.10.2.dev20260603
libtpu: 0.0.44.dev20260713+nightly
codegen_flags: <defaults>
</compile_context>

<pallas_src>
import functools

import jax
import jax.numpy as jnp
from jax import lax
from jax.experimental import pallas as pl
from jax.experimental.pallas import tpu as pltpu
from jax.experimental.pallas import tpu_sc as plsc

B = 8
N = 2048
K = 16
L = 16
NWORK = 32
NB_SC = 1
NB_TC = B - NB_SC
QPW = (NB_SC * N) // NWORK
QGROUPS = QPW // L
CHUNKS = N // L
BIG = 3.0e38
BQ = 512



def _bcast(vec, lane):
    return vec.at[lane].get(mode="promise_in_bounds")


def _round_bf16(v):
    u = plsc.bitcast(v, jnp.int32)
    r = (u + 0x7FFF + ((u >> 16) & 1)) & ~0xFFFF
    return plsc.bitcast(r, jnp.float32)


def _knn_sc_body(x0h, x1h, x2h, outh, y0v, y1v, y2v,
                 y0b, y1b, y2b, yyv, obuf):
    wid = lax.axis_index("s") * 2 + lax.axis_index("c")
    wpb = NWORK // NB_SC
    b = wid // wpb
    qoff = (wid % wpb) * QPW

    pltpu.sync_copy(x0h.at[b], y0v)
    pltpu.sync_copy(x1h.at[b], y1v)
    pltpu.sync_copy(x2h.at[b], y2v)

    def setup_body(c, carry):
        a0 = y0v[pl.ds(c * L, L)]
        a1 = y1v[pl.ds(c * L, L)]
        a2 = y2v[pl.ds(c * L, L)]
        yyv[pl.ds(c * L, L)] = (a0 * a0 + a1 * a1) + a2 * a2
        y0b[pl.ds(c * L, L)] = _round_bf16(a0)
        y1b[pl.ds(c * L, L)] = _round_bf16(a1)
        y2b[pl.ds(c * L, L)] = _round_bf16(a2)
        return carry

    lax.fori_loop(0, CHUNKS, setup_body, 0)

    iota = lax.broadcasted_iota(jnp.int32, (L,), 0)
    fifteen = jnp.full((L,), L - 1, jnp.int32)
    CU = 4
    QU = 4

    def _merge(st, d, ci):
        tv, ti, _ = st
        sd, si = plsc.sort_key_val(d, ci)
        rd = lax.rev(sd, (0,))
        ri = lax.rev(si, (0,))
        lt = tv < rd
        eq = tv == rd
        pick = lt | (eq & (ti < ri))
        nv = jnp.where(pick, tv, rd)
        ni = jnp.where(pick, ti, ri)
        nv2, ni2 = plsc.sort_key_val(nv, ni)
        return nv2, ni2, _bcast(nv2, fifteen)

    def qgroup(g, carry0):
        qb = qoff + g * L
        q0 = y0b[pl.ds(qb, L)]
        q1 = y1b[pl.ds(qb, L)]
        q2 = y2b[pl.ds(qb, L)]
        qq = yyv[pl.ds(qb, L)]

        def lquad(lq, carry1):
            bx0 = []
            bx1 = []
            bx2 = []
            bxx = []
            for u in range(QU):
                lv = jnp.full((L,), lq * QU + u, jnp.int32)
                bx0.append(_bcast(q0, lv))
                bx1.append(_bcast(q1, lv))
                bx2.append(_bcast(q2, lv))
                bxx.append(_bcast(qq, lv))

            def block(blk, st):
                d = []
                for u in range(CU):
                    base = blk * (CU * L) + u * L
                    yc0 = y0b[pl.ds(base, L)]
                    yc1 = y1b[pl.ds(base, L)]
                    yc2 = y2b[pl.ds(base, L)]
                    yyc = yyv[pl.ds(base, L)]
                    dq = []
                    for q in range(QU):
                        t = (bx0[q] * yc0 + bx1[q] * yc1) + bx2[q] * yc2
                        dq.append((bxx[q] + (-2.0) * t) + yyc)
                    d.append(dq)
                hits = []
                anyhit = None
                for q in range(QU):
                    m = d[0][q]
                    for u in range(1, CU):
                        m = jnp.minimum(m, d[u][q])
                    h = m < st[3 * q + 2]
                    hits.append(h)
                    anyhit = h if anyhit is None else (anyhit | h)

                def fine(stf):
                    out = list(stf)
                    for q in range(QU):
                        def fineq(stq, q=q):
                            s = stq
                            for u in range(CU):
                                ci = iota + (blk * (CU * L) + u * L)
                                cu = plsc.all_reduce_population_count(
                                    d[u][q] < s[2])
                                s = lax.cond(
                                    cu[0] > 0,
                                    lambda s2, u=u, ci=ci, q=q:
                                        _merge(s2, d[u][q], ci),
                                    lambda s2: s2, s)
                            return s
                        trip = (out[3 * q], out[3 * q + 1], out[3 * q + 2])
                        cq = plsc.all_reduce_population_count(hits[q])
                        trip = lax.cond(cq[0] > 0, fineq,
                                        lambda s2: s2, trip)
                        out[3 * q] = trip[0]
                        out[3 * q + 1] = trip[1]
                        out[3 * q + 2] = trip[2]
                    return tuple(out)

                cnt = plsc.all_reduce_population_count(anyhit)
                return lax.cond(cnt[0] > 0, fine, lambda s2: s2, st)

            init = []
            for _ in range(QU):
                init += [jnp.full((L,), BIG, jnp.float32),
                         jnp.full((L,), N, jnp.int32),
                         jnp.full((L,), BIG, jnp.float32)]
            fin = lax.fori_loop(0, CHUNKS // CU, block, tuple(init))
            for u in range(QU):
                obuf[pl.ds((g * L + lq * QU + u) * L, L)] = fin[3 * u + 1]
            return carry1

        lax.fori_loop(0, L // QU, lquad, 0)
        return carry0

    lax.fori_loop(0, QGROUPS, qgroup, 0)
    pltpu.sync_copy(obuf, outh.at[pl.ds(wid * QPW * K, QPW * K)])


def _knn_sc(xyz_sc):
    x0 = xyz_sc[..., 0]
    x1 = xyz_sc[..., 1]
    x2 = xyz_sc[..., 2]
    mesh = plsc.VectorSubcoreMesh(core_axis_name="c", subcore_axis_name="s")
    flat = functools.partial(
        pl.kernel,
        mesh=mesh,
        compiler_params=pltpu.CompilerParams(needs_layout_passes=False),
        out_type=jax.ShapeDtypeStruct((NB_SC * N * K,), jnp.int32),
        scratch_types=[
            pltpu.VMEM((N,), jnp.float32),
            pltpu.VMEM((N,), jnp.float32),
            pltpu.VMEM((N,), jnp.float32),
            pltpu.VMEM((N,), jnp.float32),
            pltpu.VMEM((N,), jnp.float32),
            pltpu.VMEM((N,), jnp.float32),
            pltpu.VMEM((N,), jnp.float32),
            pltpu.VMEM((QPW * K,), jnp.int32),
        ],
    )(_knn_sc_body)
    return flat(x0, x1, x2).reshape(NB_SC, N, K)



def _knn_tc_body(x_ref, yt_ref, o_ref):
    x = x_ref[0]
    yt = yt_ref[0]
    xx = jnp.sum(x * x, axis=1, keepdims=True)
    yy = jnp.sum(yt * yt, axis=0, keepdims=True)
    inner = -2.0 * jax.lax.dot_general(
        x, yt, (((1,), (0,)), ((), ())),
        preferred_element_type=jnp.float32)
    d = (xx + inner) + yy
    col = jax.lax.broadcasted_iota(jnp.int32, (BQ, N), 1)
    cols = []
    for _ in range(K):
        j = jnp.argmin(d, axis=1).astype(jnp.int32)[:, None]
        cols.append(j)
        d = jnp.where(col == j, BIG, d)
    o_ref[0] = jnp.concatenate(cols, axis=1)


def _knn_tc(xyz_tc):
    nb = xyz_tc.shape[0]
    yt = jnp.transpose(xyz_tc, (0, 2, 1))
    return pl.pallas_call(
        _knn_tc_body,
        grid=(nb, N // BQ),
        in_specs=[
            pl.BlockSpec((1, BQ, 3), lambda b, q: (b, q, 0)),
            pl.BlockSpec((1, 3, N), lambda b, q: (b, 0, 0)),
        ],
        out_specs=pl.BlockSpec((1, BQ, K), lambda b, q: (b, q, 0)),
        out_shape=jax.ShapeDtypeStruct((nb, N, K), jnp.int32),
    )(xyz_tc, yt)


def kernel(xyz):
    out_sc = _knn_sc(xyz[NB_TC:])
    if NB_TC == 0:
        return out_sc
    out_tc = _knn_tc(xyz[:NB_TC])
    return jnp.concatenate([out_tc, out_sc], axis=0)

# --- scband reference (transcript-rebuilt; emitter-appended) ---
"""Pipeline reference for scband-knn-6030134083767 (READ-ONLY COPY).

The authoritative reference and input builder live on the scoring server;
editing this copy changes nothing except your own understanding.
"""

import jax, jax.numpy as jnp
import numpy as np

K = 16

def setup_inputs(seed: int = 0) -> dict:
    key = jax.random.key(seed)
    xyz = jax.random.normal(key, (8, 2048, 3), dtype=jnp.float32)
    return {"xyz": xyz}

def reference(xyz):
    # new_xyz defaults to xyz
    new_xyz = xyz
    # inner = -2 * new_xyz @ xyz^T  -> [B, M, N]
    inner = -2.0 * jnp.matmul(new_xyz, jnp.transpose(xyz, (0, 2, 1)))
    # xx: [B, M, 1] broadcast over N (equivalent to torch repeat)
    xx = jnp.sum(new_xyz ** 2, axis=2, keepdims=True)
    # yy: [B, 1, N] broadcast over M
    yy = jnp.sum(xyz ** 2, axis=2)[:, None, :]
    dist = xx + inner + yy
    # topk smallest, sorted ascending: top_k of negated distances
    _, idx = jax.lax.top_k(-dist, K)
    return idx

if __name__ == "__main__":
    import jax
    _d = setup_inputs()
    print(jax.jit(kernel)(*tuple(_d.values())))

</pallas_src>

<mosaic_0001>
#map = affine_map<(d0, d1) -> (0, 0)>
#map1 = affine_map<(d0, d1) -> (0)>
module attributes {stable_mosaic.version = 14 : i64} {
  func.func @_knn_sc_body(%arg0: i32, %arg1: i32, %arg2: memref<1x2048xf32, #tpu.memory_space<hbm>>, %arg3: memref<1x2048xf32, #tpu.memory_space<hbm>>, %arg4: memref<1x2048xf32, #tpu.memory_space<hbm>>, %arg5: memref<32768xi32, #tpu.memory_space<hbm>>, %arg6: memref<2048xf32, #tpu.memory_space<vmem>>, %arg7: memref<2048xf32, #tpu.memory_space<vmem>>, %arg8: memref<2048xf32, #tpu.memory_space<vmem>>, %arg9: memref<2048xf32, #tpu.memory_space<vmem>>, %arg10: memref<2048xf32, #tpu.memory_space<vmem>>, %arg11: memref<2048xf32, #tpu.memory_space<vmem>>, %arg12: memref<2048xf32, #tpu.memory_space<vmem>>, %arg13: memref<1024xi32, #tpu.memory_space<vmem>>) attributes {dimension_semantics = [#tpu.dimension_semantics<core_parallel>, #tpu.dimension_semantics<subcore_parallel>], iteration_bounds = array<i64: 2, 16>, scalar_prefetch = 0 : i64, scratch_operands = 8 : i64, tpu.core_type = #tpu.core_type<sc_vector_subcore>, window_params = [{transform_indices = #map}, {transform_indices = #map}, {transform_indices = #map}, {transform_indices = #map1}]} {
    %mul3A = arith.constant 2 : i32
    %mul3A_0 = arith.muli %arg1, %mul3A : i32
    %add3A = arith.addi %mul3A_0, %arg0 : i32
    %jit3A = arith.constant 32 : i32
    %div3A = arith.divsi %add3A, %jit3A : i32
    %sign3A = arith.constant 0 : i32
    %sign3A_1 = arith.cmpi sgt, %add3A, %sign3A : i32
    %sign3A_2 = arith.extui %sign3A_1 : i1 to i32
    %sign3A_3 = arith.constant 0 : i32
    %sign3A_4 = arith.cmpi slt, %add3A, %sign3A_3 : i32
    %sign3A_5 = arith.extui %sign3A_4 : i1 to i32
    %sign3A_6 = arith.subi %sign3A_2, %sign3A_5 : i32
    %sign3A_7 = arith.constant 0 : i32
    %sign3A_8 = arith.cmpi sgt, %jit3A, %sign3A_7 : i32
    %sign3A_9 = arith.extui %sign3A_8 : i1 to i32
    %sign3A_10 = arith.constant 0 : i32
    %sign3A_11 = arith.cmpi slt, %jit3A, %sign3A_10 : i32
    %sign3A_12 = arith.extui %sign3A_11 : i1 to i32
    %sign3A_13 = arith.subi %sign3A_9, %sign3A_12 : i32
    %ne3A = arith.cmpi ne, %sign3A_6, %sign3A_13 : i32
    %rem3A = arith.remsi %add3A, %jit3A : i32
    %ne3A_14 = arith.constant 0 : i32
    %ne3A_15 = arith.cmpi ne, %rem3A, %ne3A_14 : i32
    %and3A = arith.andi %ne3A, %ne3A_15 : i1
    %sub3A = arith.constant 1 : i32
    %sub3A_16 = arith.subi %div3A, %sub3A : i32
    %select_n3A = arith.select %and3A, %sub3A_16, %div3A : i32
    %jit3A_17 = arith.constant 32 : i32
    %eq3A = arith.constant 0 : i32
    %eq3A_18 = arith.cmpi eq, %jit3A_17, %eq3A : i32
    %jit3A_19 = arith.constant 1 : i32
    %select_n3A_20 = arith.select %eq3A_18, %jit3A_19, %jit3A_17 : i32
    %rem3A_21 = arith.remsi %add3A, %select_n3A_20 : i32
    %ne3A_22 = arith.constant 0 : i32
    %ne3A_23 = arith.cmpi ne, %rem3A_21, %ne3A_22 : i32
    %lt3A = arith.constant 0 : i32
    %lt3A_24 = arith.cmpi slt, %rem3A_21, %lt3A : i32
    %lt3A_25 = arith.constant 0 : i32
    %lt3A_26 = arith.cmpi slt, %select_n3A_20, %lt3A_25 : i32
    %ne3A_27 = arith.xori %lt3A_24, %lt3A_26 : i1
    %and3A_28 = arith.andi %ne3A_27, %ne3A_23 : i1
    %add3A_29 = arith.addi %rem3A_21, %select_n3A_20 : i32
    %select_n3A_30 = arith.select %and3A_28, %add3A_29, %rem3A_21 : i32
    %mul3A_31 = arith.constant 64 : i32
    %mul3A_32 = arith.muli %select_n3A_30, %mul3A_31 : i32
    "tpu.region"() ({
      %run_scoped3A = tpu.sem_alloc : memref<!tpu.dma_semaphore, #tpu.memory_space<semaphore_mem>>
      %dma_start3A = arith.constant 0 : i32
      %dma_start3A_49 = tpu.memref_slice %arg2[%select_n3A, %dma_start3A] : memref<1x2048xf32, #tpu.memory_space<hbm>> -> memref<1x2048xf32, #tpu.memory_space<hbm>>
      %dma_start3A_50 = tpu.memref_squeeze %dma_start3A_49 : memref<1x2048xf32, #tpu.memory_space<hbm>> -> memref<2048xf32, #tpu.memory_space<hbm>>
      %dma_start3A_51 = arith.constant 0 : i32
      %dma_start3A_52 = tpu.memref_slice %arg2[%select_n3A, %dma_start3A_51] : memref<1x2048xf32, #tpu.memory_space<hbm>> -> memref<1x2048xf32, #tpu.memory_space<hbm>>
      %dma_start3A_53 = tpu.memref_squeeze %dma_start3A_52 : memref<1x2048xf32, #tpu.memory_space<hbm>> -> memref<2048xf32, #tpu.memory_space<hbm>>
      tpu.enqueue_dma source(%dma_start3A_53 : memref<2048xf32, #tpu.memory_space<hbm>>) target(%arg6 : memref<2048xf32, #tpu.memory_space<vmem>>) target_semaphore(%run_scoped3A : memref<!tpu.dma_semaphore, #tpu.memory_space<semaphore_mem>>)
      %dma_wait3A = arith.constant 0 : i32
      %dma_wait3A_54 = tpu.memref_slice %arg2[%select_n3A, %dma_wait3A] : memref<1x2048xf32, #tpu.memory_space<hbm>> -> memref<1x2048xf32, #tpu.memory_space<hbm>>
      %dma_wait3A_55 = tpu.memref_squeeze %dma_wait3A_54 : memref<1x2048xf32, #tpu.memory_space<hbm>> -> memref<2048xf32, #tpu.memory_space<hbm>>
      %dma_wait3A_56 = arith.constant 0 : i32
      %dma_wait3A_57 = tpu.memref_slice %arg2[%select_n3A, %dma_wait3A_56] : memref<1x2048xf32, #tpu.memory_space<hbm>> -> memref<1x2048xf32, #tpu.memory_space<hbm>>
      %dma_wait3A_58 = tpu.memref_squeeze %dma_wait3A_57 : memref<1x2048xf32, #tpu.memory_space<hbm>> -> memref<2048xf32, #tpu.memory_space<hbm>>
      tpu.wait_dma2 semaphore(%run_scoped3A : memref<!tpu.dma_semaphore, #tpu.memory_space<semaphore_mem>>) src(%dma_wait3A_58 : memref<2048xf32, #tpu.memory_space<hbm>>) dst(%arg6 : memref<2048xf32, #tpu.memory_space<vmem>>)
      tpu.yield
    }) : () -> ()
    "tpu.region"() ({
      %run_scoped3A = tpu.sem_alloc : memref<!tpu.dma_semaphore, #tpu.memory_space<semaphore_mem>>
      %dma_start3A = arith.constant 0 : i32
      %dma_start3A_49 = tpu.memref_slice %arg3[%select_n3A, %dma_start3A] : memref<1x2048xf32, #tpu.memory_space<hbm>> -> memref<1x2048xf32, #tpu.memory_space<hbm>>
      %dma_start3A_50 = tpu.memref_squeeze %dma_start3A_49 : memref<1x2048xf32, #tpu.memory_space<hbm>> -> memref<2048xf32, #tpu.memory_space<hbm>>
      %dma_start3A_51 = arith.constant 0 : i32
      %dma_start3A_52 = tpu.memref_slice %arg3[%select_n3A, %dma_start3A_51] : memref<1x2048xf32, #tpu.memory_space<hbm>> -> memref<1x2048xf32, #tpu.memory_space<hbm>>
      %dma_start3A_53 = tpu.memref_squeeze %dma_start3A_52 : memref<1x2048xf32, #tpu.memory_space<hbm>> -> memref<2048xf32, #tpu.memory_space<hbm>>
      tpu.enqueue_dma source(%dma_start3A_53 : memref<2048xf32, #tpu.memory_space<hbm>>) target(%arg7 : memref<2048xf32, #tpu.memory_space<vmem>>) target_semaphore(%run_scoped3A : memref<!tpu.dma_semaphore, #tpu.memory_space<semaphore_mem>>)
      %dma_wait3A = arith.constant 0 : i32
      %dma_wait3A_54 = tpu.memref_slice %arg3[%select_n3A, %dma_wait3A] : memref<1x2048xf32, #tpu.memory_space<hbm>> -> memref<1x2048xf32, #tpu.memory_space<hbm>>
      %dma_wait3A_55 = tpu.memref_squeeze %dma_wait3A_54 : memref<1x2048xf32, #tpu.memory_space<hbm>> -> memref<2048xf32, #tpu.memory_space<hbm>>
      %dma_wait3A_56 = arith.constant 0 : i32
      %dma_wait3A_57 = tpu.memref_slice %arg3[%select_n3A, %dma_wait3A_56] : memref<1x2048xf32, #tpu.memory_space<hbm>> -> memref<1x2048xf32, #tpu.memory_space<hbm>>
      %dma_wait3A_58 = tpu.memref_squeeze %dma_wait3A_57 : memref<1x2048xf32, #tpu.memory_space<hbm>> -> memref<2048xf32, #tpu.memory_space<hbm>>
      tpu.wait_dma2 semaphore(%run_scoped3A : memref<!tpu.dma_semaphore, #tpu.memory_space<semaphore_mem>>) src(%dma_wait3A_58 : memref<2048xf32, #tpu.memory_space<hbm>>) dst(%arg7 : memref<2048xf32, #tpu.memory_space<vmem>>)
      tpu.yield
    }) : () -> ()
    "tpu.region"() ({
      %run_scoped3A = tpu.sem_alloc : memref<!tpu.dma_semaphore, #tpu.memory_space<semaphore_mem>>
      %dma_start3A = arith.constant 0 : i32
      %dma_start3A_49 = tpu.memref_slice %arg4[%select_n3A, %dma_start3A] : memref<1x2048xf32, #tpu.memory_space<hbm>> -> memref<1x2048xf32, #tpu.memory_space<hbm>>
      %dma_start3A_50 = tpu.memref_squeeze %dma_start3A_49 : memref<1x2048xf32, #tpu.memory_space<hbm>> -> memref<2048xf32, #tpu.memory_space<hbm>>
      %dma_start3A_51 = arith.constant 0 : i32
      %dma_start3A_52 = tpu.memref_slice %arg4[%select_n3A, %dma_start3A_51] : memref<1x2048xf32, #tpu.memory_space<hbm>> -> memref<1x2048xf32, #tpu.memory_space<hbm>>
      %dma_start3A_53 = tpu.memref_squeeze %dma_start3A_52 : memref<1x2048xf32, #tpu.memory_space<hbm>> -> memref<2048xf32, #tpu.memory_space<hbm>>
      tpu.enqueue_dma source(%dma_start3A_53 : memref<2048xf32, #tpu.memory_space<hbm>>) target(%arg8 : memref<2048xf32, #tpu.memory_space<vmem>>) target_semaphore(%run_scoped3A : memref<!tpu.dma_semaphore, #tpu.memory_space<semaphore_mem>>)
      %dma_wait3A = arith.constant 0 : i32
      %dma_wait3A_54 = tpu.memref_slice %arg4[%select_n3A, %dma_wait3A] : memref<1x2048xf32, #tpu.memory_space<hbm>> -> memref<1x2048xf32, #tpu.memory_space<hbm>>
      %dma_wait3A_55 = tpu.memref_squeeze %dma_wait3A_54 : memref<1x2048xf32, #tpu.memory_space<hbm>> -> memref<2048xf32, #tpu.memory_space<hbm>>
      %dma_wait3A_56 = arith.constant 0 : i32
      %dma_wait3A_57 = tpu.memref_slice %arg4[%select_n3A, %dma_wait3A_56] : memref<1x2048xf32, #tpu.memory_space<hbm>> -> memref<1x2048xf32, #tpu.memory_space<hbm>>
      %dma_wait3A_58 = tpu.memref_squeeze %dma_wait3A_57 : memref<1x2048xf32, #tpu.memory_space<hbm>> -> memref<2048xf32, #tpu.memory_space<hbm>>
      tpu.wait_dma2 semaphore(%run_scoped3A : memref<!tpu.dma_semaphore, #tpu.memory_space<semaphore_mem>>) src(%dma_wait3A_58 : memref<2048xf32, #tpu.memory_space<hbm>>) dst(%arg8 : memref<2048xf32, #tpu.memory_space<vmem>>)
      tpu.yield
    }) : () -> ()
    %scan3A = arith.constant 0 : i32
    %scan3A_33 = arith.constant 0 : i32
    %scan3A_34 = arith.constant 128 : i32
    %scan3A_35 = arith.addi %scan3A_33, %scan3A_34 : i32
    %scan3A_36 = arith.constant 1 : i32
    scf.for %scan3A_49 = %scan3A_33 to %scan3A_35 step %scan3A_36  : i32 {
      %mul3A_50 = arith.constant 16 : i32
      %mul3A_51 = arith.muli %scan3A_49, %mul3A_50 : i32
      %get3A = arith.index_cast %mul3A_51 : i32 to index
      %get3A_52 = tpu.vector_load %arg6[%get3A] {strides = array<i32>} : memref<2048xf32, #tpu.memory_space<vmem>>, vector<16xf32>,
      %mul3A_53 = arith.constant 16 : i32
      %mul3A_54 = arith.muli %scan3A_49, %mul3A_53 : i32
      %get3A_55 = arith.index_cast %mul3A_54 : i32 to index
      %get3A_56 = tpu.vector_load %arg7[%get3A_55] {strides = array<i32>} : memref<2048xf32, #tpu.memory_space<vmem>>, vector<16xf32>,
      %mul3A_57 = arith.constant 16 : i32
      %mul3A_58 = arith.muli %scan3A_49, %mul3A_57 : i32
      %get3A_59 = arith.index_cast %mul3A_58 : i32 to index
      %get3A_60 = tpu.vector_load %arg8[%get3A_59] {strides = array<i32>} : memref<2048xf32, #tpu.memory_space<vmem>>, vector<16xf32>,
      %mul3A_61 = arith.mulf %get3A_52, %get3A_52 : vector<16xf32>
      %mul3A_62 = arith.mulf %get3A_56, %get3A_56 : vector<16xf32>
      %add3A_63 = arith.addf %mul3A_61, %mul3A_62 : vector<16xf32>
      %mul3A_64 = arith.mulf %get3A_60, %get3A_60 : vector<16xf32>
      %add3A_65 = arith.addf %add3A_63, %mul3A_64 : vector<16xf32>
      %mul3A_66 = arith.constant 16 : i32
      %mul3A_67 = arith.muli %scan3A_49, %mul3A_66 : i32
      %swap3A = arith.index_cast %mul3A_67 : i32 to index
      %swap3A_68 = tpu.vector_load %arg12[%swap3A] {strides = array<i32>} : memref<2048xf32, #tpu.memory_space<vmem>>, vector<16xf32>,
      tpu.vector_store %arg12[%swap3A], %add3A_65 {strides = array<i32>} : memref<2048xf32, #tpu.memory_space<vmem>>, vector<16xf32>,
      %bitcast3A = vector.bitcast %get3A_52 : vector<16xf32> to vector<16xi32>
      %add3A_69 = arith.constant 32767 : i32
      %add3A_70 = vector.broadcast %add3A_69 : i32 to vector<16xi32>
      %add3A_71 = arith.addi %bitcast3A, %add3A_70 : vector<16xi32>
      %shift_right_arithmetic3A = arith.constant 16 : i32
      %shift_right_arithmetic3A_72 = vector.broadcast %shift_right_arithmetic3A : i32 to vector<16xi32>
      %shift_right_arithmetic3A_73 = arith.shrsi %bitcast3A, %shift_right_arithmetic3A_72 : vector<16xi32>
      %and3A_74 = arith.constant 1 : i32
      %and3A_75 = vector.broadcast %and3A_74 : i32 to vector<16xi32>
      %and3A_76 = arith.andi %shift_right_arithmetic3A_73, %and3A_75 : vector<16xi32>
      %add3A_77 = arith.addi %add3A_71, %and3A_76 : vector<16xi32>
      %and3A_78 = arith.constant -65536 : i32
      %and3A_79 = vector.broadcast %and3A_78 : i32 to vector<16xi32>
      %and3A_80 = arith.andi %add3A_77, %and3A_79 : vector<16xi32>
      %bitcast3A_81 = vector.bitcast %and3A_80 : vector<16xi32> to vector<16xf32>
      %mul3A_82 = arith.constant 16 : i32
      %mul3A_83 = arith.muli %scan3A_49, %mul3A_82 : i32
      %swap3A_84 = arith.index_cast %mul3A_83 : i32 to index
      %swap3A_85 = tpu.vector_load %arg9[%swap3A_84] {strides = array<i32>} : memref<2048xf32, #tpu.memory_space<vmem>>, vector<16xf32>,
      tpu.vector_store %arg9[%swap3A_84], %bitcast3A_81 {strides = array<i32>} : memref<2048xf32, #tpu.memory_space<vmem>>, vector<16xf32>,
      %bitcast3A_86 = vector.bitcast %get3A_56 : vector<16xf32> to vector<16xi32>
      %add3A_87 = arith.constant 32767 : i32
      %add3A_88 = vector.broadcast %add3A_87 : i32 to vector<16xi32>
      %add3A_89 = arith.addi %bitcast3A_86, %add3A_88 : vector<16xi32>
      %shift_right_arithmetic3A_90 = arith.constant 16 : i32
      %shift_right_arithmetic3A_91 = vector.broadcast %shift_right_arithmetic3A_90 : i32 to vector<16xi32>
      %shift_right_arithmetic3A_92 = arith.shrsi %bitcast3A_86, %shift_right_arithmetic3A_91 : vector<16xi32>
      %and3A_93 = arith.constant 1 : i32
      %and3A_94 = vector.broadcast %and3A_93 : i32 to vector<16xi32>
      %and3A_95 = arith.andi %shift_right_arithmetic3A_92, %and3A_94 : vector<16xi32>
      %add3A_96 = arith.addi %add3A_89, %and3A_95 : vector<16xi32>
      %and3A_97 = arith.constant -65536 : i32
      %and3A_98 = vector.broadcast %and3A_97 : i32 to vector<16xi32>
      %and3A_99 = arith.andi %add3A_96, %and3A_98 : vector<16xi32>
      %bitcast3A_100 = vector.bitcast %and3A_99 : vector<16xi32> to vector<16xf32>
      %mul3A_101 = arith.constant 16 : i32
      %mul3A_102 = arith.muli %scan3A_49, %mul3A_101 : i32
      %swap3A_103 = arith.index_cast %mul3A_102 : i32 to index
      %swap3A_104 = tpu.vector_load %arg10[%swap3A_103] {strides = array<i32>} : memref<2048xf32, #tpu.memory_space<vmem>>, vector<16xf32>,
      tpu.vector_store %arg10[%swap3A_103], %bitcast3A_100 {strides = array<i32>} : memref<2048xf32, #tpu.memory_space<vmem>>, vector<16xf32>,
      %bitcast3A_105 = vector.bitcast %get3A_60 : vector<16xf32> to vector<16xi32>
      %add3A_106 = arith.constant 32767 : i32
      %add3A_107 = vector.broadcast %add3A_106 : i32 to vector<16xi32>
      %add3A_108 = arith.addi %bitcast3A_105, %add3A_107 : vector<16xi32>
      %shift_right_arithmetic3A_109 = arith.constant 16 : i32
      %shift_right_arithmetic3A_110 = vector.broadcast %shift_right_arithmetic3A_109 : i32 to vector<16xi32>
      %shift_right_arithmetic3A_111 = arith.shrsi %bitcast3A_105, %shift_right_arithmetic3A_110 : vector<16xi32>
      %and3A_112 = arith.constant 1 : i32
      %and3A_113 = vector.broadcast %and3A_112 : i32 to vector<16xi32>
      %and3A_114 = arith.andi %shift_right_arithmetic3A_111, %and3A_113 : vector<16xi32>
      %add3A_115 = arith.addi %add3A_108, %and3A_114 : vector<16xi32>
      %and3A_116 = arith.constant -65536 : i32
      %and3A_117 = vector.broadcast %and3A_116 : i32 to vector<16xi32>
      %and3A_118 = arith.andi %add3A_115, %and3A_117 : vector<16xi32>
      %bitcast3A_119 = vector.bitcast %and3A_118 : vector<16xi32> to vector<16xf32>
      %mul3A_120 = arith.constant 16 : i32
      %mul3A_121 = arith.muli %scan3A_49, %mul3A_120 : i32
      %swap3A_122 = arith.index_cast %mul3A_121 : i32 to index
      %swap3A_123 = tpu.vector_load %arg11[%swap3A_122] {strides = array<i32>} : memref<2048xf32, #tpu.memory_space<vmem>>, vector<16xf32>,
      tpu.vector_store %arg11[%swap3A_122], %bitcast3A_119 {strides = array<i32>} : memref<2048xf32, #tpu.memory_space<vmem>>, vector<16xf32>,
    }
    %scan3A_37 = arith.constant 128 : i32
    %iota3A = tpu.iota {dimensions = array<i32: 0>} : vector<16xi32>
    %broadcast_in_dim3A = arith.constant 15 : i32
    %broadcast_in_dim3A_38 = vector.broadcast %broadcast_in_dim3A : i32 to vector<16xi32>
    %scan3A_39 = arith.constant 0 : i32
    %scan3A_40 = arith.constant 0 : i32
    %scan3A_41 = arith.constant 4 : i32
    %scan3A_42 = arith.addi %scan3A_40, %scan3A_41 : i32
    %scan3A_43 = arith.constant 1 : i32
    scf.for %scan3A_49 = %scan3A_40 to %scan3A_42 step %scan3A_43  : i32 {
      %mul3A_50 = arith.constant 16 : i32
      %mul3A_51 = arith.muli %scan3A_49, %mul3A_50 : i32
      %add3A_52 = arith.addi %mul3A_32, %mul3A_51 : i32
      %get3A = arith.index_cast %add3A_52 : i32 to index
      %get3A_53 = tpu.vector_load %arg9[%get3A] {strides = array<i32>} : memref<2048xf32, #tpu.memory_space<vmem>>, vector<16xf32>,
      %get3A_54 = arith.index_cast %add3A_52 : i32 to index
      %get3A_55 = tpu.vector_load %arg10[%get3A_54] {strides = array<i32>} : memref<2048xf32, #tpu.memory_space<vmem>>, vector<16xf32>,
      %get3A_56 = arith.index_cast %add3A_52 : i32 to index
      %get3A_57 = tpu.vector_load %arg11[%get3A_56] {strides = array<i32>} : memref<2048xf32, #tpu.memory_space<vmem>>, vector<16xf32>,
      %get3A_58 = arith.index_cast %add3A_52 : i32 to index
      %get3A_59 = tpu.vector_load %arg12[%get3A_58] {strides = array<i32>} : memref<2048xf32, #tpu.memory_space<vmem>>, vector<16xf32>,
      %scan3A_60 = arith.constant 0 : i32
      %scan3A_61 = arith.constant 0 : i32
      %scan3A_62 = arith.constant 4 : i32
      %scan3A_63 = arith.addi %scan3A_61, %scan3A_62 : i32
      %scan3A_64 = arith.constant 1 : i32
      scf.for %scan3A_66 = %scan3A_61 to %scan3A_63 step %scan3A_64  : i32 {
        %mul3A_67 = arith.constant 4 : i32
        %mul3A_68 = arith.muli %scan3A_66, %mul3A_67 : i32
        %add3A_69 = arith.constant 0 : i32
        %add3A_70 = arith.addi %mul3A_68, %add3A_69 : i32
        %broadcast_in_dim3A_71 = vector.broadcast %add3A_70 : i32 to vector<16xi32>
        %lt3A_72 = arith.constant 0 : i32
        %lt3A_73 = vector.broadcast %lt3A_72 : i32 to vector<16xi32>
        %lt3A_74 = arith.cmpi slt, %broadcast_in_dim3A_71, %lt3A_73 : vector<16xi32>
        %add3A_75 = arith.constant 16 : i32
        %add3A_76 = vector.broadcast %add3A_75 : i32 to vector<16xi32>
        %add3A_77 = arith.addi %broadcast_in_dim3A_71, %add3A_76 : vector<16xi32>
        %select_n3A_78 = arith.select %lt3A_74, %add3A_77, %broadcast_in_dim3A_71 : vector<16xi1>, vector<16xi32>
        %broadcast_in_dim3A_79 = vector.shape_cast %select_n3A_78 : vector<16xi32> to vector<16x1xi32>
        %gather3A = vector.shape_cast %broadcast_in_dim3A_79 : vector<16x1xi32> to vector<16xi32>
        %gather3A_80 = tpu.dynamic_gather %get3A_53[%gather3A] in [0] : vector<16xf32>, vector<16xi32> -> vector<16xf32>
        %lt3A_81 = arith.constant 0 : i32
        %lt3A_82 = vector.broadcast %lt3A_81 : i32 to vector<16xi32>
        %lt3A_83 = arith.cmpi slt, %broadcast_in_dim3A_71, %lt3A_82 : vector<16xi32>
        %add3A_84 = arith.constant 16 : i32
        %add3A_85 = vector.broadcast %add3A_84 : i32 to vector<16xi32>
        %add3A_86 = arith.addi %broadcast_in_dim3A_71, %add3A_85 : vector<16xi32>
        %select_n3A_87 = arith.select %lt3A_83, %add3A_86, %broadcast_in_dim3A_71 : vector<16xi1>, vector<16xi32>
        %broadcast_in_dim3A_88 = vector.shape_cast %select_n3A_87 : vector<16xi32> to vector<16x1xi32>
        %gather3A_89 = vector.shape_cast %broadcast_in_dim3A_88 : vector<16x1xi32> to vector<16xi32>
        %gather3A_90 = tpu.dynamic_gather %get3A_55[%gather3A_89] in [0] : vector<16xf32>, vector<16xi32> -> vector<16xf32>
        %lt3A_91 = arith.constant 0 : i32
        %lt3A_92 = vector.broadcast %lt3A_91 : i32 to vector<16xi32>
        %lt3A_93 = arith.cmpi slt, %broadcast_in_dim3A_71, %lt3A_92 : vector<16xi32>
        %add3A_94 = arith.constant 16 : i32
        %add3A_95 = vector.broadcast %add3A_94 : i32 to vector<16xi32>
        %add3A_96 = arith.addi %broadcast_in_dim3A_71, %add3A_95 : vector<16xi32>
        %select_n3A_97 = arith.select %lt3A_93, %add3A_96, %broadcast_in_dim3A_71 : vector<16xi1>, vector<16xi32>
        %broadcast_in_dim3A_98 = vector.shape_cast %select_n3A_97 : vector<16xi32> to vector<16x1xi32>
        %gather3A_99 = vector.shape_cast %broadcast_in_dim3A_98 : vector<16x1xi32> to vector<16xi32>
        %gather3A_100 = tpu.dynamic_gather %get3A_57[%gather3A_99] in [0] : vector<16xf32>, vector<16xi32> -> vector<16xf32>
        %lt3A_101 = arith.constant 0 : i32
        %lt3A_102 = vector.broadcast %lt3A_101 : i32 to vector<16xi32>
        %lt3A_103 = arith.cmpi slt, %broadcast_in_dim3A_71, %lt3A_102 : vector<16xi32>
        %add3A_104 = arith.constant 16 : i32
        %add3A_105 = vector.broadcast %add3A_104 : i32 to vector<16xi32>
        %add3A_106 = arith.addi %broadcast_in_dim3A_71, %add3A_105 : vector<16xi32>
        %select_n3A_107 = arith.select %lt3A_103, %add3A_106, %broadcast_in_dim3A_71 : vector<16xi1>, vector<16xi32>
        %broadcast_in_dim3A_108 = vector.shape_cast %select_n3A_107 : vector<16xi32> to vector<16x1xi32>
        %gather3A_109 = vector.shape_cast %broadcast_in_dim3A_108 : vector<16x1xi32> to vector<16xi32>
        %gather3A_110 = tpu.dynamic_gather %get3A_59[%gather3A_109] in [0] : vector<16xf32>, vector<16xi32> -> vector<16xf32>
        %mul3A_111 = arith.constant 4 : i32
        %mul3A_112 = arith.muli %scan3A_66, %mul3A_111 : i32
        %add3A_113 = arith.constant 1 : i32
        %add3A_114 = arith.addi %mul3A_112, %add3A_113 : i32
        %broadcast_in_dim3A_115 = vector.broadcast %add3A_114 : i32 to vector<16xi32>
        %lt3A_116 = arith.constant 0 : i32
        %lt3A_117 = vector.broadcast %lt3A_116 : i32 to vector<16xi32>
        %lt3A_118 = arith.cmpi slt, %broadcast_in_dim3A_115, %lt3A_117 : vector<16xi32>
        %add3A_119 = arith.constant 16 : i32
        %add3A_120 = vector.broadcast %add3A_119 : i32 to vector<16xi32>
        %add3A_121 = arith.addi %broadcast_in_dim3A_115, %add3A_120 : vector<16xi32>
        %select_n3A_122 = arith.select %lt3A_118, %add3A_121, %broadcast_in_dim3A_115 : vector<16xi1>, vector<16xi32>
        %broadcast_in_dim3A_123 = vector.shape_cast %select_n3A_122 : vector<16xi32> to vector<16x1xi32>
        %gather3A_124 = vector.shape_cast %broadcast_in_dim3A_123 : vector<16x1xi32> to vector<16xi32>
        %gather3A_125 = tpu.dynamic_gather %get3A_53[%gather3A_124] in [0] : vector<16xf32>, vector<16xi32> -> vector<16xf32>
        %lt3A_126 = arith.constant 0 : i32
        %lt3A_127 = vector.broadcast %lt3A_126 : i32 to vector<16xi32>
        %lt3A_128 = arith.cmpi slt, %broadcast_in_dim3A_115, %lt3A_127 : vector<16xi32>
        %add3A_129 = arith.constant 16 : i32
        %add3A_130 = vector.broadcast %add3A_129 : i32 to vector<16xi32>
        %add3A_131 = arith.addi %broadcast_in_dim3A_115, %add3A_130 : vector<16xi32>
        %select_n3A_132 = arith.select %lt3A_128, %add3A_131, %broadcast_in_dim3A_115 : vector<16xi1>, vector<16xi32>
        %broadcast_in_dim3A_133 = vector.shape_cast %select_n3A_132 : vector<16xi32> to vector<16x1xi32>
        %gather3A_134 = vector.shape_cast %broadcast_in_dim3A_133 : vector<16x1xi32> to vector<16xi32>
        %gather3A_135 = tpu.dynamic_gather %get3A_55[%gather3A_134] in [0] : vector<16xf32>, vector<16xi32> -> vector<16xf32>
        %lt3A_136 = arith.constant 0 : i32
        %lt3A_137 = vector.broadcast %lt3A_136 : i32 to vector<16xi32>
        %lt3A_138 = arith.cmpi slt, %broadcast_in_dim3A_115, %lt3A_137 : vector<16xi32>
        %add3A_139 = arith.constant 16 : i32
        %add3A_140 = vector.broadcast %add3A_139 : i32 to vector<16xi32>
        %add3A_141 = arith.addi %broadcast_in_dim3A_115, %add3A_140 : vector<16xi32>
        %select_n3A_142 = arith.select %lt3A_138, %add3A_141, %broadcast_in_dim3A_115 : vector<16xi1>, vector<16xi32>
        %broadcast_in_dim3A_143 = vector.shape_cast %select_n3A_142 : vector<16xi32> to vector<16x1xi32>
        %gather3A_144 = vector.shape_cast %broadcast_in_dim3A_143 : vector<16x1xi32> to vector<16xi32>
        %gather3A_145 = tpu.dynamic_gather %get3A_57[%gather3A_144] in [0] : vector<16xf32>, vector<16xi32> -> vector<16xf32>
        %lt3A_146 = arith.constant 0 : i32
        %lt3A_147 = vector.broadcast %lt3A_146 : i32 to vector<16xi32>
        %lt3A_148 = arith.cmpi slt, %broadcast_in_dim3A_115, %lt3A_147 : vector<16xi32>
        %add3A_149 = arith.constant 16 : i32
        %add3A_150 = vector.broadcast %add3A_149 : i32 to vector<16xi32>
        %add3A_151 = arith.addi %broadcast_in_dim3A_115, %add3A_150 : vector<16xi32>
        %select_n3A_152 = arith.select %lt3A_148, %add3A_151, %broadcast_in_dim3A_115 : vector<16xi1>, vector<16xi32>
        %broadcast_in_dim3A_153 = vector.shape_cast %select_n3A_152 : vector<16xi32> to vector<16x1xi32>
        %gather3A_154 = vector.shape_cast %broadcast_in_dim3A_153 : vector<16x1xi32> to vector<16xi32>
        %gather3A_155 = tpu.dynamic_gather %get3A_59[%gather3A_154] in [0] : vector<16xf32>, vector<16xi32> -> vector<16xf32>
        %mul3A_156 = arith.constant 4 : i32
        %mul3A_157 = arith.muli %scan3A_66, %mul3A_156 : i32
        %add3A_158 = arith.constant 2 : i32
        %add3A_159 = arith.addi %mul3A_157, %add3A_158 : i32
        %broadcast_in_dim3A_160 = vector.broadcast %add3A_159 : i32 to vector<16xi32>
        %lt3A_161 = arith.constant 0 : i32
        %lt3A_162 = vector.broadcast %lt3A_161 : i32 to vector<16xi32>
        %lt3A_163 = arith.cmpi slt, %broadcast_in_dim3A_160, %lt3A_162 : vector<16xi32>
        %add3A_164 = arith.constant 16 : i32
        %add3A_165 = vector.broadcast %add3A_164 : i32 to vector<16xi32>
        %add3A_166 = arith.addi %broadcast_in_dim3A_160, %add3A_165 : vector<16xi32>
        %select_n3A_167 = arith.select %lt3A_163, %add3A_166, %broadcast_in_dim3A_160 : vector<16xi1>, vector<16xi32>
        %broadcast_in_dim3A_168 = vector.shape_cast %select_n3A_167 : vector<16xi32> to vector<16x1xi32>
        %gather3A_169 = vector.shape_cast %broadcast_in_dim3A_168 : vector<16x1xi32> to vector<16xi32>
        %gather3A_170 = tpu.dynamic_gather %get3A_53[%gather3A_169] in [0] : vector<16xf32>, vector<16xi32> -> vector<16xf32>
        %lt3A_171 = arith.constant 0 : i32
        %lt3A_172 = vector.broadcast %lt3A_171 : i32 to vector<16xi32>
        %lt3A_173 = arith.cmpi slt, %broadcast_in_dim3A_160, %lt3A_172 : vector<16xi32>
        %add3A_174 = arith.constant 16 : i32
        %add3A_175 = vector.broadcast %add3A_174 : i32 to vector<16xi32>
        %add3A_176 = arith.addi %broadcast_in_dim3A_160, %add3A_175 : vector<16xi32>
        %select_n3A_177 = arith.select %lt3A_173, %add3A_176, %broadcast_in_dim3A_160 : vector<16xi1>, vector<16xi32>
        %broadcast_in_dim3A_178 = vector.shape_cast %select_n3A_177 : vector<16xi32> to vector<16x1xi32>
        %gather3A_179 = vector.shape_cast %broadcast_in_dim3A_178 : vector<16x1xi32> to vector<16xi32>
        %gather3A_180 = tpu.dynamic_gather %get3A_55[%gather3A_179] in [0] : vector<16xf32>, vector<16xi32> -> vector<16xf32>
        %lt3A_181 = arith.constant 0 : i32
        %lt3A_182 = vector.broadcast %lt3A_181 : i32 to vector<16xi32>
        %lt3A_183 = arith.cmpi slt, %broadcast_in_dim3A_160, %lt3A_182 : vector<16xi32>
        %add3A_184 = arith.constant 16 : i32
        %add3A_185 = vector.broadcast %add3A_184 : i32 to vector<16xi32>
        %add3A_186 = arith.addi %broadcast_in_dim3A_160, %add3A_185 : vector<16xi32>
        %select_n3A_187 = arith.select %lt3A_183, %add3A_186, %broadcast_in_dim3A_160 : vector<16xi1>, vector<16xi32>
        %broadcast_in_dim3A_188 = vector.shape_cast %select_n3A_187 : vector<16xi32> to vector<16x1xi32>
        %gather3A_189 = vector.shape_cast %broadcast_in_dim3A_188 : vector<16x1xi32> to vector<16xi32>
        %gather3A_190 = tpu.dynamic_gather %get3A_57[%gather3A_189] in [0] : vector<16xf32>, vector<16xi32> -> vector<16xf32>
        %lt3A_191 = arith.constant 0 : i32
        %lt3A_192 = vector.broadcast %lt3A_191 : i32 to vector<16xi32>
        %lt3A_193 = arith.cmpi slt, %broadcast_in_dim3A_160, %lt3A_192 : vector<16xi32>
        %add3A_194 = arith.constant 16 : i32
        %add3A_195 = vector.broadcast %add3A_194 : i32 to vector<16xi32>
        %add3A_196 = arith.addi %broadcast_in_dim3A_160, %add3A_195 : vector<16xi32>
        %select_n3A_197 = arith.select %lt3A_193, %add3A_196, %broadcast_in_dim3A_160 : vector<16xi1>, vector<16xi32>
        %broadcast_in_dim3A_198 = vector.shape_cast %select_n3A_197 : vector<16xi32> to vector<16x1xi32>
        %gather3A_199 = vector.shape_cast %broadcast_in_dim3A_198 : vector<16x1xi32> to vector<16xi32>
        %gather3A_200 = tpu.dynamic_gather %get3A_59[%gather3A_199] in [0] : vector<16xf32>, vector<16xi32> -> vector<16xf32>
        %mul3A_201 = arith.constant 4 : i32
        %mul3A_202 = arith.muli %scan3A_66, %mul3A_201 : i32
        %add3A_203 = arith.constant 3 : i32
        %add3A_204 = arith.addi %mul3A_202, %add3A_203 : i32
        %broadcast_in_dim3A_205 = vector.broadcast %add3A_204 : i32 to vector<16xi32>
        %lt3A_206 = arith.constant 0 : i32
        %lt3A_207 = vector.broadcast %lt3A_206 : i32 to vector<16xi32>
        %lt3A_208 = arith.cmpi slt, %broadcast_in_dim3A_205, %lt3A_207 : vector<16xi32>
        %add3A_209 = arith.constant 16 : i32
        %add3A_210 = vector.broadcast %add3A_209 : i32 to vector<16xi32>
        %add3A_211 = arith.addi %broadcast_in_dim3A_205, %add3A_210 : vector<16xi32>
        %select_n3A_212 = arith.select %lt3A_208, %add3A_211, %broadcast_in_dim3A_205 : vector<16xi1>, vector<16xi32>
        %broadcast_in_dim3A_213 = vector.shape_cast %select_n3A_212 : vector<16xi32> to vector<16x1xi32>
        %gather3A_214 = vector.shape_cast %broadcast_in_dim3A_213 : vector<16x1xi32> to vector<16xi32>
        %gather3A_215 = tpu.dynamic_gather %get3A_53[%gather3A_214] in [0] : vector<16xf32>, vector<16xi32> -> vector<16xf32>
        %lt3A_216 = arith.constant 0 : i32
        %lt3A_217 = vector.broadcast %lt3A_216 : i32 to vector<16xi32>
        %lt3A_218 = arith.cmpi slt, %broadcast_in_dim3A_205, %lt3A_217 : vector<16xi32>
        %add3A_219 = arith.constant 16 : i32
        %add3A_220 = vector.broadcast %add3A_219 : i32 to vector<16xi32>
        %add3A_221 = arith.addi %broadcast_in_dim3A_205, %add3A_220 : vector<16xi32>
        %select_n3A_222 = arith.select %lt3A_218, %add3A_221, %broadcast_in_dim3A_205 : vector<16xi1>, vector<16xi32>
        %broadcast_in_dim3A_223 = vector.shape_cast %select_n3A_222 : vector<16xi32> to vector<16x1xi32>
        %gather3A_224 = vector.shape_cast %broadcast_in_dim3A_223 : vector<16x1xi32> to vector<16xi32>
        %gather3A_225 = tpu.dynamic_gather %get3A_55[%gather3A_224] in [0] : vector<16xf32>, vector<16xi32> -> vector<16xf32>
        %lt3A_226 = arith.constant 0 : i32
        %lt3A_227 = vector.broadcast %lt3A_226 : i32 to vector<16xi32>
        %lt3A_228 = arith.cmpi slt, %broadcast_in_dim3A_205, %lt3A_227 : vector<16xi32>
        %add3A_229 = arith.constant 16 : i32
        %add3A_230 = vector.broadcast %add3A_229 : i32 to vector<16xi32>
        %add3A_231 = arith.addi %broadcast_in_dim3A_205, %add3A_230 : vector<16xi32>
        %select_n3A_232 = arith.select %lt3A_228, %add3A_231, %broadcast_in_dim3A_205 : vector<16xi1>, vector<16xi32>
        %broadcast_in_dim3A_233 = vector.shape_cast %select_n3A_232 : vector<16xi32> to vector<16x1xi32>
        %gather3A_234 = vector.shape_cast %broadcast_in_dim3A_233 : vector<16x1xi32> to vector<16xi32>
        %gather3A_235 = tpu.dynamic_gather %get3A_57[%gather3A_234] in [0] : vector<16xf32>, vector<16xi32> -> vector<16xf32>
        %lt3A_236 = arith.constant 0 : i32
        %lt3A_237 = vector.broadcast %lt3A_236 : i32 to vector<16xi32>
        %lt3A_238 = arith.cmpi slt, %broadcast_in_dim3A_205, %lt3A_237 : vector<16xi32>
        %add3A_239 = arith.constant 16 : i32
        %add3A_240 = vector.broadcast %add3A_239 : i32 to vector<16xi32>
        %add3A_241 = arith.addi %broadcast_in_dim3A_205, %add3A_240 : vector<16xi32>
        %select_n3A_242 = arith.select %lt3A_238, %add3A_241, %broadcast_in_dim3A_205 : vector<16xi1>, vector<16xi32>
        %broadcast_in_dim3A_243 = vector.shape_cast %select_n3A_242 : vector<16xi32> to vector<16x1xi32>
        %gather3A_244 = vector.shape_cast %broadcast_in_dim3A_243 : vector<16x1xi32> to vector<16xi32>
        %gather3A_245 = tpu.dynamic_gather %get3A_59[%gather3A_244] in [0] : vector<16xf32>, vector<16xi32> -> vector<16xf32>
        %broadcast_in_dim3A_246 = arith.constant 3.000000e+38 : f32
        %broadcast_in_dim3A_247 = vector.broadcast %broadcast_in_dim3A_246 : f32 to vector<16xf32>
        %broadcast_in_dim3A_248 = arith.constant 2048 : i32
        %broadcast_in_dim3A_249 = vector.broadcast %broadcast_in_dim3A_248 : i32 to vector<16xi32>
        %broadcast_in_dim3A_250 = arith.constant 3.000000e+38 : f32
        %broadcast_in_dim3A_251 = vector.broadcast %broadcast_in_dim3A_250 : f32 to vector<16xf32>
        %broadcast_in_dim3A_252 = arith.constant 3.000000e+38 : f32
        %broadcast_in_dim3A_253 = vector.broadcast %broadcast_in_dim3A_252 : f32 to vector<16xf32>
        %broadcast_in_dim3A_254 = arith.constant 2048 : i32
        %broadcast_in_dim3A_255 = vector.broadcast %broadcast_in_dim3A_254 : i32 to vector<16xi32>
        %broadcast_in_dim3A_256 = arith.constant 3.000000e+38 : f32
        %broadcast_in_dim3A_257 = vector.broadcast %broadcast_in_dim3A_256 : f32 to vector<16xf32>
        %broadcast_in_dim3A_258 = arith.constant 3.000000e+38 : f32
        %broadcast_in_dim3A_259 = vector.broadcast %broadcast_in_dim3A_258 : f32 to vector<16xf32>
        %broadcast_in_dim3A_260 = arith.constant 2048 : i32
        %broadcast_in_dim3A_261 = vector.broadcast %broadcast_in_dim3A_260 : i32 to vector<16xi32>
        %broadcast_in_dim3A_262 = arith.constant 3.000000e+38 : f32
        %broadcast_in_dim3A_263 = vector.broadcast %broadcast_in_dim3A_262 : f32 to vector<16xf32>
        %broadcast_in_dim3A_264 = arith.constant 3.000000e+38 : f32
        %broadcast_in_dim3A_265 = vector.broadcast %broadcast_in_dim3A_264 : f32 to vector<16xf32>
        %broadcast_in_dim3A_266 = arith.constant 2048 : i32
        %broadcast_in_dim3A_267 = vector.broadcast %broadcast_in_dim3A_266 : i32 to vector<16xi32>
        %broadcast_in_dim3A_268 = arith.constant 3.000000e+38 : f32
        %broadcast_in_dim3A_269 = vector.broadcast %broadcast_in_dim3A_268 : f32 to vector<16xf32>
        %scan3A_270 = arith.constant 0 : i32
        %scan3A_271 = arith.constant 32 : i32
        %scan3A_272 = arith.addi %scan3A_270, %scan3A_271 : i32
        %scan3A_273 = arith.constant 1 : i32
        %scan3A_274:12 = scf.for %scan3A_319 = %scan3A_270 to %scan3A_272 step %scan3A_273 iter_args(%scan3A_320 = %broadcast_in_dim3A_247, %scan3A_321 = %broadcast_in_dim3A_249, %scan3A_322 = %broadcast_in_dim3A_251, %scan3A_323 = %broadcast_in_dim3A_253, %scan3A_324 = %broadcast_in_dim3A_255, %scan3A_325 = %broadcast_in_dim3A_257, %scan3A_326 = %broadcast_in_dim3A_259, %scan3A_327 = %broadcast_in_dim3A_261, %scan3A_328 = %broadcast_in_dim3A_263, %scan3A_329 = %broadcast_in_dim3A_265, %scan3A_330 = %broadcast_in_dim3A_267, %scan3A_331 = %broadcast_in_dim3A_269) -> (vector<16xf32>, vector<16xi32>, vector<16xf32>, vector<16xf32>, vector<16xi32>, vector<16xf32>, vector<16xf32>, vector<16xi32>, vector<16xf32>, vector<16xf32>, vector<16xi32>, vector<16xf32>)  : i32 {
          %mul3A_332 = arith.constant 64 : i32
          %mul3A_333 = arith.muli %scan3A_319, %mul3A_332 : i32
          %add3A_334 = arith.constant 0 : i32
          %add3A_335 = arith.addi %mul3A_333, %add3A_334 : i32
          %get3A_336 = arith.index_cast %add3A_335 : i32 to index
          %get3A_337 = tpu.vector_load %arg9[%get3A_336] {strides = array<i32>} : memref<2048xf32, #tpu.memory_space<vmem>>, vector<16xf32>,
          %get3A_338 = arith.index_cast %add3A_335 : i32 to index
          %get3A_339 = tpu.vector_load %arg10[%get3A_338] {strides = array<i32>} : memref<2048xf32, #tpu.memory_space<vmem>>, vector<16xf32>,
          %get3A_340 = arith.index_cast %add3A_335 : i32 to index
          %get3A_341 = tpu.vector_load %arg11[%get3A_340] {strides = array<i32>} : memref<2048xf32, #tpu.memory_space<vmem>>, vector<16xf32>,
          %get3A_342 = arith.index_cast %add3A_335 : i32 to index
          %get3A_343 = tpu.vector_load %arg12[%get3A_342] {strides = array<i32>} : memref<2048xf32, #tpu.memory_space<vmem>>, vector<16xf32>,
          %mul3A_344 = arith.mulf %gather3A_80, %get3A_337 : vector<16xf32>
          %mul3A_345 = arith.mulf %gather3A_90, %get3A_339 : vector<16xf32>
          %add3A_346 = arith.addf %mul3A_344, %mul3A_345 : vector<16xf32>
          %mul3A_347 = arith.mulf %gather3A_100, %get3A_341 : vector<16xf32>
          %add3A_348 = arith.addf %add3A_346, %mul3A_347 : vector<16xf32>
          %mul3A_349 = arith.constant -2.000000e+00 : f32
          %mul3A_350 = vector.broadcast %mul3A_349 : f32 to vector<16xf32>
          %mul3A_351 = arith.mulf %mul3A_350, %add3A_348 : vector<16xf32>
          %add3A_352 = arith.addf %gather3A_110, %mul3A_351 : vector<16xf32>
          %add3A_353 = arith.addf %add3A_352, %get3A_343 : vector<16xf32>
          %mul3A_354 = arith.mulf %gather3A_125, %get3A_337 : vector<16xf32>
          %mul3A_355 = arith.mulf %gather3A_135, %get3A_339 : vector<16xf32>
          %add3A_356 = arith.addf %mul3A_354, %mul3A_355 : vector<16xf32>
          %mul3A_357 = arith.mulf %gather3A_145, %get3A_341 : vector<16xf32>
          %add3A_358 = arith.addf %add3A_356, %mul3A_357 : vector<16xf32>
          %mul3A_359 = arith.constant -2.000000e+00 : f32
          %mul3A_360 = vector.broadcast %mul3A_359 : f32 to vector<16xf32>
          %mul3A_361 = arith.mulf %mul3A_360, %add3A_358 : vector<16xf32>
          %add3A_362 = arith.addf %gather3A_155, %mul3A_361 : vector<16xf32>
          %add3A_363 = arith.addf %add3A_362, %get3A_343 : vector<16xf32>
          %mul3A_364 = arith.mulf %gather3A_170, %get3A_337 : vector<16xf32>
          %mul3A_365 = arith.mulf %gather3A_180, %get3A_339 : vector<16xf32>
          %add3A_366 = arith.addf %mul3A_364, %mul3A_365 : vector<16xf32>
          %mul3A_367 = arith.mulf %gather3A_190, %get3A_341 : vector<16xf32>
          %add3A_368 = arith.addf %add3A_366, %mul3A_367 : vector<16xf32>
          %mul3A_369 = arith.constant -2.000000e+00 : f32
          %mul3A_370 = vector.broadcast %mul3A_369 : f32 to vector<16xf32>
          %mul3A_371 = arith.mulf %mul3A_370, %add3A_368 : vector<16xf32>
          %add3A_372 = arith.addf %gather3A_200, %mul3A_371 : vector<16xf32>
          %add3A_373 = arith.addf %add3A_372, %get3A_343 : vector<16xf32>
          %mul3A_374 = arith.mulf %gather3A_215, %get3A_337 : vector<16xf32>
          %mul3A_375 = arith.mulf %gather3A_225, %get3A_339 : vector<16xf32>
          %add3A_376 = arith.addf %mul3A_374, %mul3A_375 : vector<16xf32>
          %mul3A_377 = arith.mulf %gather3A_235, %get3A_341 : vector<16xf32>
          %add3A_378 = arith.addf %add3A_376, %mul3A_377 : vector<16xf32>
          %mul3A_379 = arith.constant -2.000000e+00 : f32
          %mul3A_380 = vector.broadcast %mul3A_379 : f32 to vector<16xf32>
          %mul3A_381 = arith.mulf %mul3A_380, %add3A_378 : vector<16xf32>
          %add3A_382 = arith.addf %gather3A_245, %mul3A_381 : vector<16xf32>
          %add3A_383 = arith.addf %add3A_382, %get3A_343 : vector<16xf32>
          %mul3A_384 = arith.constant 64 : i32
          %mul3A_385 = arith.muli %scan3A_319, %mul3A_384 : i32
          %add3A_386 = arith.constant 16 : i32
          %add3A_387 = arith.addi %mul3A_385, %add3A_386 : i32
          %get3A_388 = arith.index_cast %add3A_387 : i32 to index
          %get3A_389 = tpu.vector_load %arg9[%get3A_388] {strides = array<i32>} : memref<2048xf32, #tpu.memory_space<vmem>>, vector<16xf32>,
          %get3A_390 = arith.index_cast %add3A_387 : i32 to index
          %get3A_391 = tpu.vector_load %arg10[%get3A_390] {strides = array<i32>} : memref<2048xf32, #tpu.memory_space<vmem>>, vector<16xf32>,
          %get3A_392 = arith.index_cast %add3A_387 : i32 to index
          %get3A_393 = tpu.vector_load %arg11[%get3A_392] {strides = array<i32>} : memref<2048xf32, #tpu.memory_space<vmem>>, vector<16xf32>,
          %get3A_394 = arith.index_cast %add3A_387 : i32 to index
          %get3A_395 = tpu.vector_load %arg12[%get3A_394] {strides = array<i32>} : memref<2048xf32, #tpu.memory_space<vmem>>, vector<16xf32>,
          %mul3A_396 = arith.mulf %gather3A_80, %get3A_389 : vector<16xf32>
          %mul3A_397 = arith.mulf %gather3A_90, %get3A_391 : vector<16xf32>
          %add3A_398 = arith.addf %mul3A_396, %mul3A_397 : vector<16xf32>
          %mul3A_399 = arith.mulf %gather3A_100, %get3A_393 : vector<16xf32>
          %add3A_400 = arith.addf %add3A_398, %mul3A_399 : vector<16xf32>
          %mul3A_401 = arith.constant -2.000000e+00 : f32
          %mul3A_402 = vector.broadcast %mul3A_401 : f32 to vector<16xf32>
          %mul3A_403 = arith.mulf %mul3A_402, %add3A_400 : vector<16xf32>
          %add3A_404 = arith.addf %gather3A_110, %mul3A_403 : vector<16xf32>
          %add3A_405 = arith.addf %add3A_404, %get3A_395 : vector<16xf32>
          %mul3A_406 = arith.mulf %gather3A_125, %get3A_389 : vector<16xf32>
          %mul3A_407 = arith.mulf %gather3A_135, %get3A_391 : vector<16xf32>
          %add3A_408 = arith.addf %mul3A_406, %mul3A_407 : vector<16xf32>
          %mul3A_409 = arith.mulf %gather3A_145, %get3A_393 : vector<16xf32>
          %add3A_410 = arith.addf %add3A_408, %mul3A_409 : vector<16xf32>
          %mul3A_411 = arith.constant -2.000000e+00 : f32
          %mul3A_412 = vector.broadcast %mul3A_411 : f32 to vector<16xf32>
          %mul3A_413 = arith.mulf %mul3A_412, %add3A_410 : vector<16xf32>
          %add3A_414 = arith.addf %gather3A_155, %mul3A_413 : vector<16xf32>
          %add3A_415 = arith.addf %add3A_414, %get3A_395 : vector<16xf32>
          %mul3A_416 = arith.mulf %gather3A_170, %get3A_389 : vector<16xf32>
          %mul3A_417 = arith.mulf %gather3A_180, %get3A_391 : vector<16xf32>
          %add3A_418 = arith.addf %mul3A_416, %mul3A_417 : vector<16xf32>
          %mul3A_419 = arith.mulf %gather3A_190, %get3A_393 : vector<16xf32>
          %add3A_420 = arith.addf %add3A_418, %mul3A_419 : vector<16xf32>
          %mul3A_421 = arith.constant -2.000000e+00 : f32
          %mul3A_422 = vector.broadcast %mul3A_421 : f32 to vector<16xf32>
          %mul3A_423 = arith.mulf %mul3A_422, %add3A_420 : vector<16xf32>
          %add3A_424 = arith.addf %gather3A_200, %mul3A_423 : vector<16xf32>
          %add3A_425 = arith.addf %add3A_424, %get3A_395 : vector<16xf32>
          %mul3A_426 = arith.mulf %gather3A_215, %get3A_389 : vector<16xf32>
          %mul3A_427 = arith.mulf %gather3A_225, %get3A_391 : vector<16xf32>
          %add3A_428 = arith.addf %mul3A_426, %mul3A_427 : vector<16xf32>
          %mul3A_429 = arith.mulf %gather3A_235, %get3A_393 : vector<16xf32>
          %add3A_430 = arith.addf %add3A_428, %mul3A_429 : vector<16xf32>
          %mul3A_431 = arith.constant -2.000000e+00 : f32
          %mul3A_432 = vector.broadcast %mul3A_431 : f32 to vector<16xf32>
          %mul3A_433 = arith.mulf %mul3A_432, %add3A_430 : vector<16xf32>
          %add3A_434 = arith.addf %gather3A_245, %mul3A_433 : vector<16xf32>
          %add3A_435 = arith.addf %add3A_434, %get3A_395 : vector<16xf32>
          %mul3A_436 = arith.constant 64 : i32
          %mul3A_437 = arith.muli %scan3A_319, %mul3A_436 : i32
          %add3A_438 = arith.constant 32 : i32
          %add3A_439 = arith.addi %mul3A_437, %add3A_438 : i32
          %get3A_440 = arith.index_cast %add3A_439 : i32 to index
          %get3A_441 = tpu.vector_load %arg9[%get3A_440] {strides = array<i32>} : memref<2048xf32, #tpu.memory_space<vmem>>, vector<16xf32>,
          %get3A_442 = arith.index_cast %add3A_439 : i32 to index
          %get3A_443 = tpu.vector_load %arg10[%get3A_442] {strides = array<i32>} : memref<2048xf32, #tpu.memory_space<vmem>>, vector<16xf32>,
          %get3A_444 = arith.index_cast %add3A_439 : i32 to index
          %get3A_445 = tpu.vector_load %arg11[%get3A_444] {strides = array<i32>} : memref<2048xf32, #tpu.memory_space<vmem>>, vector<16xf32>,
          %get3A_446 = arith.index_cast %add3A_439 : i32 to index
          %get3A_447 = tpu.vector_load %arg12[%get3A_446] {strides = array<i32>} : memref<2048xf32, #tpu.memory_space<vmem>>, vector<16xf32>,
          %mul3A_448 = arith.mulf %gather3A_80, %get3A_441 : vector<16xf32>
          %mul3A_449 = arith.mulf %gather3A_90, %get3A_443 : vector<16xf32>
          %add3A_450 = arith.addf %mul3A_448, %mul3A_449 : vector<16xf32>
          %mul3A_451 = arith.mulf %gather3A_100, %get3A_445 : vector<16xf32>
          %add3A_452 = arith.addf %add3A_450, %mul3A_451 : vector<16xf32>
          %mul3A_453 = arith.constant -2.000000e+00 : f32
          %mul3A_454 = vector.broadcast %mul3A_453 : f32 to vector<16xf32>
          %mul3A_455 = arith.mulf %mul3A_454, %add3A_452 : vector<16xf32>
          %add3A_456 = arith.addf %gather3A_110, %mul3A_455 : vector<16xf32>
          %add3A_457 = arith.addf %add3A_456, %get3A_447 : vector<16xf32>
          %mul3A_458 = arith.mulf %gather3A_125, %get3A_441 : vector<16xf32>
          %mul3A_459 = arith.mulf %gather3A_135, %get3A_443 : vector<16xf32>
          %add3A_460 = arith.addf %mul3A_458, %mul3A_459 : vector<16xf32>
          %mul3A_461 = arith.mulf %gather3A_145, %get3A_445 : vector<16xf32>
          %add3A_462 = arith.addf %add3A_460, %mul3A_461 : vector<16xf32>
          %mul3A_463 = arith.constant -2.000000e+00 : f32
          %mul3A_464 = vector.broadcast %mul3A_463 : f32 to vector<16xf32>
          %mul3A_465 = arith.mulf %mul3A_464, %add3A_462 : vector<16xf32>
          %add3A_466 = arith.addf %gather3A_155, %mul3A_465 : vector<16xf32>
          %add3A_467 = arith.addf %add3A_466, %get3A_447 : vector<16xf32>
          %mul3A_468 = arith.mulf %gather3A_170, %get3A_441 : vector<16xf32>
          %mul3A_469 = arith.mulf %gather3A_180, %get3A_443 : vector<16xf32>
          %add3A_470 = arith.addf %mul3A_468, %mul3A_469 : vector<16xf32>
          %mul3A_471 = arith.mulf %gather3A_190, %get3A_445 : vector<16xf32>
          %add3A_472 = arith.addf %add3A_470, %mul3A_471 : vector<16xf32>
          %mul3A_473 = arith.constant -2.000000e+00 : f32
          %mul3A_474 = vector.broadcast %mul3A_473 : f32 to vector<16xf32>
          %mul3A_475 = arith.mulf %mul3A_474, %add3A_472 : vector<16xf32>
          %add3A_476 = arith.addf %gather3A_200, %mul3A_475 : vector<16xf32>
          %add3A_477 = arith.addf %add3A_476, %get3A_447 : vector<16xf32>
          %mul3A_478 = arith.mulf %gather3A_215, %get3A_441 : vector<16xf32>
          %mul3A_479 = arith.mulf %gather3A_225, %get3A_443 : vector<16xf32>
          %add3A_480 = arith.addf %mul3A_478, %mul3A_479 : vector<16xf32>
          %mul3A_481 = arith.mulf %gather3A_235, %get3A_445 : vector<16xf32>
          %add3A_482 = arith.addf %add3A_480, %mul3A_481 : vector<16xf32>
          %mul3A_483 = arith.constant -2.000000e+00 : f32
          %mul3A_484 = vector.broadcast %mul3A_483 : f32 to vector<16xf32>
          %mul3A_485 = arith.mulf %mul3A_484, %add3A_482 : vector<16xf32>
          %add3A_486 = arith.addf %gather3A_245, %mul3A_485 : vector<16xf32>
          %add3A_487 = arith.addf %add3A_486, %get3A_447 : vector<16xf32>
          %mul3A_488 = arith.constant 64 : i32
          %mul3A_489 = arith.muli %scan3A_319, %mul3A_488 : i32
          %add3A_490 = arith.constant 48 : i32
          %add3A_491 = arith.addi %mul3A_489, %add3A_490 : i32
          %get3A_492 = arith.index_cast %add3A_491 : i32 to index
          %get3A_493 = tpu.vector_load %arg9[%get3A_492] {strides = array<i32>} : memref<2048xf32, #tpu.memory_space<vmem>>, vector<16xf32>,
          %get3A_494 = arith.index_cast %add3A_491 : i32 to index
          %get3A_495 = tpu.vector_load %arg10[%get3A_494] {strides = array<i32>} : memref<2048xf32, #tpu.memory_space<vmem>>, vector<16xf32>,
          %get3A_496 = arith.index_cast %add3A_491 : i32 to index
          %get3A_497 = tpu.vector_load %arg11[%get3A_496] {strides = array<i32>} : memref<2048xf32, #tpu.memory_space<vmem>>, vector<16xf32>,
          %get3A_498 = arith.index_cast %add3A_491 : i32 to index
          %get3A_499 = tpu.vector_load %arg12[%get3A_498] {strides = array<i32>} : memref<2048xf32, #tpu.memory_space<vmem>>, vector<16xf32>,
          %mul3A_500 = arith.mulf %gather3A_80, %get3A_493 : vector<16xf32>
          %mul3A_501 = arith.mulf %gather3A_90, %get3A_495 : vector<16xf32>
          %add3A_502 = arith.addf %mul3A_500, %mul3A_501 : vector<16xf32>
          %mul3A_503 = arith.mulf %gather3A_100, %get3A_497 : vector<16xf32>
          %add3A_504 = arith.addf %add3A_502, %mul3A_503 : vector<16xf32>
          %mul3A_505 = arith.constant -2.000000e+00 : f32
          %mul3A_506 = vector.broadcast %mul3A_505 : f32 to vector<16xf32>
          %mul3A_507 = arith.mulf %mul3A_506, %add3A_504 : vector<16xf32>
          %add3A_508 = arith.addf %gather3A_110, %mul3A_507 : vector<16xf32>
          %add3A_509 = arith.addf %add3A_508, %get3A_499 : vector<16xf32>
          %mul3A_510 = arith.mulf %gather3A_125, %get3A_493 : vector<16xf32>
          %mul3A_511 = arith.mulf %gather3A_135, %get3A_495 : vector<16xf32>
          %add3A_512 = arith.addf %mul3A_510, %mul3A_511 : vector<16xf32>
          %mul3A_513 = arith.mulf %gather3A_145, %get3A_497 : vector<16xf32>
          %add3A_514 = arith.addf %add3A_512, %mul3A_513 : vector<16xf32>
          %mul3A_515 = arith.constant -2.000000e+00 : f32
          %mul3A_516 = vector.broadcast %mul3A_515 : f32 to vector<16xf32>
          %mul3A_517 = arith.mulf %mul3A_516, %add3A_514 : vector<16xf32>
          %add3A_518 = arith.addf %gather3A_155, %mul3A_517 : vector<16xf32>
          %add3A_519 = arith.addf %add3A_518, %get3A_499 : vector<16xf32>
          %mul3A_520 = arith.mulf %gather3A_170, %get3A_493 : vector<16xf32>
          %mul3A_521 = arith.mulf %gather3A_180, %get3A_495 : vector<16xf32>
          %add3A_522 = arith.addf %mul3A_520, %mul3A_521 : vector<16xf32>
          %mul3A_523 = arith.mulf %gather3A_190, %get3A_497 : vector<16xf32>
          %add3A_524 = arith.addf %add3A_522, %mul3A_523 : vector<16xf32>
          %mul3A_525 = arith.constant -2.000000e+00 : f32
          %mul3A_526 = vector.broadcast %mul3A_525 : f32 to vector<16xf32>
          %mul3A_527 = arith.mulf %mul3A_526, %add3A_524 : vector<16xf32>
          %add3A_528 = arith.addf %gather3A_200, %mul3A_527 : vector<16xf32>
          %add3A_529 = arith.addf %add3A_528, %get3A_499 : vector<16xf32>
          %mul3A_530 = arith.mulf %gather3A_215, %get3A_493 : vector<16xf32>
          %mul3A_531 = arith.mulf %gather3A_225, %get3A_495 : vector<16xf32>
          %add3A_532 = arith.addf %mul3A_530, %mul3A_531 : vector<16xf32>
          %mul3A_533 = arith.mulf %gather3A_235, %get3A_497 : vector<16xf32>
          %add3A_534 = arith.addf %add3A_532, %mul3A_533 : vector<16xf32>
          %mul3A_535 = arith.constant -2.000000e+00 : f32
          %mul3A_536 = vector.broadcast %mul3A_535 : f32 to vector<16xf32>
          %mul3A_537 = arith.mulf %mul3A_536, %add3A_534 : vector<16xf32>
          %add3A_538 = arith.addf %gather3A_245, %mul3A_537 : vector<16xf32>
          %add3A_539 = arith.addf %add3A_538, %get3A_499 : vector<16xf32>
          %min3A = arith.minimumf %add3A_353, %add3A_405 : vector<16xf32>
          %min3A_540 = arith.minimumf %min3A, %add3A_457 : vector<16xf32>
          %min3A_541 = arith.minimumf %min3A_540, %add3A_509 : vector<16xf32>
          %lt3A_542 = arith.cmpf olt, %min3A_541, %scan3A_322 : vector<16xf32>
          %min3A_543 = arith.minimumf %add3A_363, %add3A_415 : vector<16xf32>
          %min3A_544 = arith.minimumf %min3A_543, %add3A_467 : vector<16xf32>
          %min3A_545 = arith.minimumf %min3A_544, %add3A_519 : vector<16xf32>
          %lt3A_546 = arith.cmpf olt, %min3A_545, %scan3A_325 : vector<16xf32>
          %or3A = arith.ori %lt3A_542, %lt3A_546 : vector<16xi1>
          %min3A_547 = arith.minimumf %add3A_373, %add3A_425 : vector<16xf32>
          %min3A_548 = arith.minimumf %min3A_547, %add3A_477 : vector<16xf32>
          %min3A_549 = arith.minimumf %min3A_548, %add3A_529 : vector<16xf32>
          %lt3A_550 = arith.cmpf olt, %min3A_549, %scan3A_328 : vector<16xf32>
          %or3A_551 = arith.ori %or3A, %lt3A_550 : vector<16xi1>
          %min3A_552 = arith.minimumf %add3A_383, %add3A_435 : vector<16xf32>
          %min3A_553 = arith.minimumf %min3A_552, %add3A_487 : vector<16xf32>
          %min3A_554 = arith.minimumf %min3A_553, %add3A_539 : vector<16xf32>
          %lt3A_555 = arith.cmpf olt, %min3A_554, %scan3A_331 : vector<16xf32>
          %or3A_556 = arith.ori %or3A_551, %lt3A_555 : vector<16xi1>
          %all_reduce_population_count3A = tpu.all_reduce %or3A_556 {dim = 0 : i64, kind = #tpu.reduction_kind<sum>} : vector<16xi1> -> vector<16xi32>
          %slice3A = vector.extract_strided_slice %all_reduce_population_count3A {offsets = [0], sizes = [1], strides = [1]} : vector<16xi32> to vector<1xi32>
          %squeeze3A = vector.extract %slice3A[0] : i32 from vector<1xi32>
          %gt3A = arith.constant 0 : i32
          %gt3A_557 = arith.cmpi sgt, %squeeze3A, %gt3A : i32
          %convert_element_type3A = arith.extui %gt3A_557 : i1 to i32
          %cond3A = arith.constant 0 : i32
          %cond3A_558 = arith.cmpi ne, %convert_element_type3A, %cond3A : i32
          %cond3A_559:12 = scf.if %cond3A_558 -> (vector<16xf32>, vector<16xi32>, vector<16xf32>, vector<16xf32>, vector<16xi32>, vector<16xf32>, vector<16xf32>, vector<16xi32>, vector<16xf32>, vector<16xf32>, vector<16xi32>, vector<16xf32>) {
            %all_reduce_population_count3A_560 = tpu.all_reduce %lt3A_542 {dim = 0 : i64, kind = #tpu.reduction_kind<sum>} : vector<16xi1> -> vector<16xi32>
            %slice3A_561 = vector.extract_strided_slice %all_reduce_population_count3A_560 {offsets = [0], sizes = [1], strides = [1]} : vector<16xi32> to vector<1xi32>
            %squeeze3A_562 = vector.extract %slice3A_561[0] : i32 from vector<1xi32>
            %gt3A_563 = arith.constant 0 : i32
            %gt3A_564 = arith.cmpi sgt, %squeeze3A_562, %gt3A_563 : i32
            %convert_element_type3A_565 = arith.extui %gt3A_564 : i1 to i32
            %cond3A_566 = arith.constant 0 : i32
            %cond3A_567 = arith.cmpi ne, %convert_element_type3A_565, %cond3A_566 : i32
            %cond3A_568:3 = scf.if %cond3A_567 -> (vector<16xf32>, vector<16xi32>, vector<16xf32>) {
              %mul3A_596 = arith.constant 64 : i32
              %mul3A_597 = arith.muli %scan3A_319, %mul3A_596 : i32
              %add3A_598 = arith.constant 0 : i32
              %add3A_599 = arith.addi %mul3A_597, %add3A_598 : i32
              %add3A_600 = vector.broadcast %add3A_599 : i32 to vector<16xi32>
              %add3A_601 = arith.addi %iota3A, %add3A_600 : vector<16xi32>
              %lt3A_602 = arith.cmpf olt, %add3A_353, %scan3A_322 : vector<16xf32>
              %all_reduce_population_count3A_603 = tpu.all_reduce %lt3A_602 {dim = 0 : i64, kind = #tpu.reduction_kind<sum>} : vector<16xi1> -> vector<16xi32>
              %slice3A_604 = vector.extract_strided_slice %all_reduce_population_count3A_603 {offsets = [0], sizes = [1], strides = [1]} : vector<16xi32> to vector<1xi32>
              %squeeze3A_605 = vector.extract %slice3A_604[0] : i32 from vector<1xi32>
              %gt3A_606 = arith.constant 0 : i32
              %gt3A_607 = arith.cmpi sgt, %squeeze3A_605, %gt3A_606 : i32
              %convert_element_type3A_608 = arith.extui %gt3A_607 : i1 to i32
              %cond3A_609 = arith.constant 0 : i32
              %cond3A_610 = arith.cmpi ne, %convert_element_type3A_608, %cond3A_609 : i32
              %cond3A_611:3 = scf.if %cond3A_610 -> (vector<16xf32>, vector<16xi32>, vector<16xf32>) {
                %masked_sort3A = arith.constant dense<true> : vector<16xi1>
                %masked_sort3A_660, %masked_sort3A_661, %masked_sort3A_662 = tpu.sort %add3A_353, %add3A_601 masked %masked_sort3A : (vector<16xf32>, vector<16xi32>, vector<16xi1>) -> (vector<16xi1>, vector<16xf32>, vector<16xi32>)
                %rev3A = arith.constant 15 : i32
                %rev3A_663 = vector.broadcast %rev3A : i32 to vector<16xi32>
                %rev3A_664 = tpu.iota {dimensions = array<i32: 0>} : vector<16xi32>
                %rev3A_665 = arith.subi %rev3A_663, %rev3A_664 : vector<16xi32>
                %rev3A_666 = tpu.dynamic_gather %masked_sort3A_661[%rev3A_665] in [0] : vector<16xf32>, vector<16xi32> -> vector<16xf32>
                %rev3A_667 = arith.constant 15 : i32
                %rev3A_668 = vector.broadcast %rev3A_667 : i32 to vector<16xi32>
                %rev3A_669 = tpu.iota {dimensions = array<i32: 0>} : vector<16xi32>
                %rev3A_670 = arith.subi %rev3A_668, %rev3A_669 : vector<16xi32>
                %rev3A_671 = tpu.dynamic_gather %masked_sort3A_662[%rev3A_670] in [0] : vector<16xi32>, vector<16xi32> -> vector<16xi32>
                %lt3A_672 = arith.cmpf olt, %scan3A_320, %rev3A_666 : vector<16xf32>
                %eq3A_673 = arith.cmpf oeq, %scan3A_320, %rev3A_666 : vector<16xf32>
                %lt3A_674 = arith.cmpi slt, %scan3A_321, %rev3A_671 : vector<16xi32>
                %and3A_675 = arith.andi %eq3A_673, %lt3A_674 : vector<16xi1>
                %or3A_676 = arith.ori %lt3A_672, %and3A_675 : vector<16xi1>
                %select_n3A_677 = arith.select %or3A_676, %scan3A_320, %rev3A_666 : vector<16xi1>, vector<16xf32>
                %select_n3A_678 = arith.select %or3A_676, %scan3A_321, %rev3A_671 : vector<16xi1>, vector<16xi32>
                %masked_sort3A_679 = arith.constant dense<true> : vector<16xi1>
                %masked_sort3A_680, %masked_sort3A_681, %masked_sort3A_682 = tpu.sort %select_n3A_677, %select_n3A_678 masked %masked_sort3A_679 : (vector<16xf32>, vector<16xi32>, vector<16xi1>) -> (vector<16xi1>, vector<16xf32>, vector<16xi32>)
                %lt3A_683 = arith.constant 0 : i32
                %lt3A_684 = vector.broadcast %lt3A_683 : i32 to vector<16xi32>
                %lt3A_685 = arith.cmpi slt, %broadcast_in_dim3A_38, %lt3A_684 : vector<16xi32>
                %add3A_686 = arith.constant 16 : i32
                %add3A_687 = vector.broadcast %add3A_686 : i32 to vector<16xi32>
                %add3A_688 = arith.addi %broadcast_in_dim3A_38, %add3A_687 : vector<16xi32>
                %select_n3A_689 = arith.select %lt3A_685, %add3A_688, %broadcast_in_dim3A_38 : vector<16xi1>, vector<16xi32>
                %broadcast_in_dim3A_690 = vector.shape_cast %select_n3A_689 : vector<16xi32> to vector<16x1xi32>
                %gather3A_691 = vector.shape_cast %broadcast_in_dim3A_690 : vector<16x1xi32> to vector<16xi32>
                %gather3A_692 = tpu.dynamic_gather %masked_sort3A_681[%gather3A_691] in [0] : vector<16xf32>, vector<16xi32> -> vector<16xf32>
                scf.yield %masked_sort3A_681, %masked_sort3A_682, %gather3A_692 : vector<16xf32>, vector<16xi32>, vector<16xf32>
              } else {
                scf.yield %scan3A_320, %scan3A_321, %scan3A_322 : vector<16xf32>, vector<16xi32>, vector<16xf32>
              }
              %mul3A_612 = arith.constant 64 : i32
              %mul3A_613 = arith.muli %scan3A_319, %mul3A_612 : i32
              %add3A_614 = arith.constant 16 : i32
              %add3A_615 = arith.addi %mul3A_613, %add3A_614 : i32
              %add3A_616 = vector.broadcast %add3A_615 : i32 to vector<16xi32>
              %add3A_617 = arith.addi %iota3A, %add3A_616 : vector<16xi32>
              %lt3A_618 = arith.cmpf olt, %add3A_405, %cond3A_611#2 : vector<16xf32>
              %all_reduce_population_count3A_619 = tpu.all_reduce %lt3A_618 {dim = 0 : i64, kind = #tpu.reduction_kind<sum>} : vector<16xi1> -> vector<16xi32>
              %slice3A_620 = vector.extract_strided_slice %all_reduce_population_count3A_619 {offsets = [0], sizes = [1], strides = [1]} : vector<16xi32> to vector<1xi32>
              %squeeze3A_621 = vector.extract %slice3A_620[0] : i32 from vector<1xi32>
              %gt3A_622 = arith.constant 0 : i32
              %gt3A_623 = arith.cmpi sgt, %squeeze3A_621, %gt3A_622 : i32
              %convert_element_type3A_624 = arith.extui %gt3A_623 : i1 to i32
              %cond3A_625 = arith.constant 0 : i32
              %cond3A_626 = arith.cmpi ne, %convert_element_type3A_624, %cond3A_625 : i32
              %cond3A_627:3 = scf.if %cond3A_626 -> (vector<16xf32>, vector<16xi32>, vector<16xf32>) {
                %masked_sort3A = arith.constant dense<true> : vector<16xi1>
                %masked_sort3A_660, %masked_sort3A_661, %masked_sort3A_662 = tpu.sort %add3A_405, %add3A_617 masked %masked_sort3A : (vector<16xf32>, vector<16xi32>, vector<16xi1>) -> (vector<16xi1>, vector<16xf32>, vector<16xi32>)
                %rev3A = arith.constant 15 : i32
                %rev3A_663 = vector.broadcast %rev3A : i32 to vector<16xi32>
                %rev3A_664 = tpu.iota {dimensions = array<i32: 0>} : vector<16xi32>
                %rev3A_665 = arith.subi %rev3A_663, %rev3A_664 : vector<16xi32>
                %rev3A_666 = tpu.dynamic_gather %masked_sort3A_661[%rev3A_665] in [0] : vector<16xf32>, vector<16xi32> -> vector<16xf32>
                %rev3A_667 = arith.constant 15 : i32
                %rev3A_668 = vector.broadcast %rev3A_667 : i32 to vector<16xi32>
                %rev3A_669 = tpu.iota {dimensions = array<i32: 0>} : vector<16xi32>
                %rev3A_670 = arith.subi %rev3A_668, %rev3A_669 : vector<16xi32>
                %rev3A_671 = tpu.dynamic_gather %masked_sort3A_662[%rev3A_670] in [0] : vector<16xi32>, vector<16xi32> -> vector<16xi32>
                %lt3A_672 = arith.cmpf olt, %cond3A_611#0, %rev3A_666 : vector<16xf32>
                %eq3A_673 = arith.cmpf oeq, %cond3A_611#0, %rev3A_666 : vector<16xf32>
                %lt3A_674 = arith.cmpi slt, %cond3A_611#1, %rev3A_671 : vector<16xi32>
                %and3A_675 = arith.andi %eq3A_673, %lt3A_674 : vector<16xi1>
                %or3A_676 = arith.ori %lt3A_672, %and3A_675 : vector<16xi1>
                %select_n3A_677 = arith.select %or3A_676, %cond3A_611#0, %rev3A_666 : vector<16xi1>, vector<16xf32>
                %select_n3A_678 = arith.select %or3A_676, %cond3A_611#1, %rev3A_671 : vector<16xi1>, vector<16xi32>
                %masked_sort3A_679 = arith.constant dense<true> : vector<16xi1>
                %masked_sort3A_680, %masked_sort3A_681, %masked_sort3A_682 = tpu.sort %select_n3A_677, %select_n3A_678 masked %masked_sort3A_679 : (vector<16xf32>, vector<16xi32>, vector<16xi1>) -> (vector<16xi1>, vector<16xf32>, vector<16xi32>)
                %lt3A_683 = arith.constant 0 : i32
                %lt3A_684 = vector.broadcast %lt3A_683 : i32 to vector<16xi32>
                %lt3A_685 = arith.cmpi slt, %broadcast_in_dim3A_38, %lt3A_684 : vector<16xi32>
                %add3A_686 = arith.constant 16 : i32
                %add3A_687 = vector.broadcast %add3A_686 : i32 to vector<16xi32>
                %add3A_688 = arith.addi %broadcast_in_dim3A_38, %add3A_687 : vector<16xi32>
                %select_n3A_689 = arith.select %lt3A_685, %add3A_688, %broadcast_in_dim3A_38 : vector<16xi1>, vector<16xi32>
                %broadcast_in_dim3A_690 = vector.shape_cast %select_n3A_689 : vector<16xi32> to vector<16x1xi32>
                %gather3A_691 = vector.shape_cast %broadcast_in_dim3A_690 : vector<16x1xi32> to vector<16xi32>
                %gather3A_692 = tpu.dynamic_gather %masked_sort3A_681[%gather3A_691] in [0] : vector<16xf32>, vector<16xi32> -> vector<16xf32>
                scf.yield %masked_sort3A_681, %masked_sort3A_682, %gather3A_692 : vector<16xf32>, vector<16xi32>, vector<16xf32>
              } else {
                scf.yield %cond3A_611#0, %cond3A_611#1, %cond3A_611#2 : vector<16xf32>, vector<16xi32>, vector<16xf32>
              }
              %mul3A_628 = arith.constant 64 : i32
              %mul3A_629 = arith.muli %scan3A_319, %mul3A_628 : i32
              %add3A_630 = arith.constant 32 : i32
              %add3A_631 = arith.addi %mul3A_629, %add3A_630 : i32
              %add3A_632 = vector.broadcast %add3A_631 : i32 to vector<16xi32>
              %add3A_633 = arith.addi %iota3A, %add3A_632 : vector<16xi32>
              %lt3A_634 = arith.cmpf olt, %add3A_457, %cond3A_627#2 : vector<16xf32>
              %all_reduce_population_count3A_635 = tpu.all_reduce %lt3A_634 {dim = 0 : i64, kind = #tpu.reduction_kind<sum>} : vector<16xi1> -> vector<16xi32>
              %slice3A_636 = vector.extract_strided_slice %all_reduce_population_count3A_635 {offsets = [0], sizes = [1], strides = [1]} : vector<16xi32> to vector<1xi32>
              %squeeze3A_637 = vector.extract %slice3A_636[0] : i32 from vector<1xi32>
              %gt3A_638 = arith.constant 0 : i32
              %gt3A_639 = arith.cmpi sgt, %squeeze3A_637, %gt3A_638 : i32
              %convert_element_type3A_640 = arith.extui %gt3A_639 : i1 to i32
              %cond3A_641 = arith.constant 0 : i32
              %cond3A_642 = arith.cmpi ne, %convert_element_type3A_640, %cond3A_641 : i32
              %cond3A_643:3 = scf.if %cond3A_642 -> (vector<16xf32>, vector<16xi32>, vector<16xf32>) {
                %masked_sort3A = arith.constant dense<true> : vector<16xi1>
                %masked_sort3A_660, %masked_sort3A_661, %masked_sort3A_662 = tpu.sort %add3A_457, %add3A_633 masked %masked_sort3A : (vector<16xf32>, vector<16xi32>, vector<16xi1>) -> (vector<16xi1>, vector<16xf32>, vector<16xi32>)
                %rev3A = arith.constant 15 : i32
                %rev3A_663 = vector.broadcast %rev3A : i32 to vector<16xi32>
                %rev3A_664 = tpu.iota {dimensions = array<i32: 0>} : vector<16xi32>
                %rev3A_665 = arith.subi %rev3A_663, %rev3A_664 : vector<16xi32>
                %rev3A_666 = tpu.dynamic_gather %masked_sort3A_661[%rev3A_665] in [0] : vector<16xf32>, vector<16xi32> -> vector<16xf32>
                %rev3A_667 = arith.constant 15 : i32
                %rev3A_668 = vector.broadcast %rev3A_667 : i32 to vector<16xi32>
                %rev3A_669 = tpu.iota {dimensions = array<i32: 0>} : vector<16xi32>
                %rev3A_670 = arith.subi %rev3A_668, %rev3A_669 : vector<16xi32>
                %rev3A_671 = tpu.dynamic_gather %masked_sort3A_662[%rev3A_670] in [0] : vector<16xi32>, vector<16xi32> -> vector<16xi32>
                %lt3A_672 = arith.cmpf olt, %cond3A_627#0, %rev3A_666 : vector<16xf32>
                %eq3A_673 = arith.cmpf oeq, %cond3A_627#0, %rev3A_666 : vector<16xf32>
                %lt3A_674 = arith.cmpi slt, %cond3A_627#1, %rev3A_671 : vector<16xi32>
                %and3A_675 = arith.andi %eq3A_673, %lt3A_674 : vector<16xi1>
                %or3A_676 = arith.ori %lt3A_672, %and3A_675 : vector<16xi1>
                %select_n3A_677 = arith.select %or3A_676, %cond3A_627#0, %rev3A_666 : vector<16xi1>, vector<16xf32>
                %select_n3A_678 = arith.select %or3A_676, %cond3A_627#1, %rev3A_671 : vector<16xi1>, vector<16xi32>
                %masked_sort3A_679 = arith.constant dense<true> : vector<16xi1>
                %masked_sort3A_680, %masked_sort3A_681, %masked_sort3A_682 = tpu.sort %select_n3A_677, %select_n3A_678 masked %masked_sort3A_679 : (vector<16xf32>, vector<16xi32>, vector<16xi1>) -> (vector<16xi1>, vector<16xf32>, vector<16xi32>)
                %lt3A_683 = arith.constant 0 : i32
                %lt3A_684 = vector.broadcast %lt3A_683 : i32 to vector<16xi32>
                %lt3A_685 = arith.cmpi slt, %broadcast_in_dim3A_38, %lt3A_684 : vector<16xi32>
                %add3A_686 = arith.constant 16 : i32
                %add3A_687 = vector.broadcast %add3A_686 : i32 to vector<16xi32>
                %add3A_688 = arith.addi %broadcast_in_dim3A_38, %add3A_687 : vector<16xi32>
                %select_n3A_689 = arith.select %lt3A_685, %add3A_688, %broadcast_in_dim3A_38 : vector<16xi1>, vector<16xi32>
                %broadcast_in_dim3A_690 = vector.shape_cast %select_n3A_689 : vector<16xi32> to vector<16x1xi32>
                %gather3A_691 = vector.shape_cast %broadcast_in_dim3A_690 : vector<16x1xi32> to vector<16xi32>
                %gather3A_692 = tpu.dynamic_gather %masked_sort3A_681[%gather3A_691] in [0] : vector<16xf32>, vector<16xi32> -> vector<16xf32>
                scf.yield %masked_sort3A_681, %masked_sort3A_682, %gather3A_692 : vector<16xf32>, vector<16xi32>, vector<16xf32>
              } else {
                scf.yield %cond3A_627#0, %cond3A_627#1, %cond3A_627#2 : vector<16xf32>, vector<16xi32>, vector<16xf32>
              }
              %mul3A_644 = arith.constant 64 : i32
              %mul3A_645 = arith.muli %scan3A_319, %mul3A_644 : i32
              %add3A_646 = arith.constant 48 : i32
              %add3A_647 = arith.addi %mul3A_645, %add3A_646 : i32
              %add3A_648 = vector.broadcast %add3A_647 : i32 to vector<16xi32>
              %add3A_649 = arith.addi %iota3A, %add3A_648 : vector<16xi32>
              %lt3A_650 = arith.cmpf olt, %add3A_509, %cond3A_643#2 : vector<16xf32>
              %all_reduce_population_count3A_651 = tpu.all_reduce %lt3A_650 {dim = 0 : i64, kind = #tpu.reduction_kind<sum>} : vector<16xi1> -> vector<16xi32>
              %slice3A_652 = vector.extract_strided_slice %all_reduce_population_count3A_651 {offsets = [0], sizes = [1], strides = [1]} : vector<16xi32> to vector<1xi32>
              %squeeze3A_653 = vector.extract %slice3A_652[0] : i32 from vector<1xi32>
              %gt3A_654 = arith.constant 0 : i32
              %gt3A_655 = arith.cmpi sgt, %squeeze3A_653, %gt3A_654 : i32
              %convert_element_type3A_656 = arith.extui %gt3A_655 : i1 to i32
              %cond3A_657 = arith.constant 0 : i32
              %cond3A_658 = arith.cmpi ne, %convert_element_type3A_656, %cond3A_657 : i32
              %cond3A_659:3 = scf.if %cond3A_658 -> (vector<16xf32>, vector<16xi32>, vector<16xf32>) {
                %masked_sort3A = arith.constant dense<true> : vector<16xi1>
                %masked_sort3A_660, %masked_sort3A_661, %masked_sort3A_662 = tpu.sort %add3A_509, %add3A_649 masked %masked_sort3A : (vector<16xf32>, vector<16xi32>, vector<16xi1>) -> (vector<16xi1>, vector<16xf32>, vector<16xi32>)
                %rev3A = arith.constant 15 : i32
                %rev3A_663 = vector.broadcast %rev3A : i32 to vector<16xi32>
                %rev3A_664 = tpu.iota {dimensions = array<i32: 0>} : vector<16xi32>
                %rev3A_665 = arith.subi %rev3A_663, %rev3A_664 : vector<16xi32>
                %rev3A_666 = tpu.dynamic_gather %masked_sort3A_661[%rev3A_665] in [0] : vector<16xf32>, vector<16xi32> -> vector<16xf32>
                %rev3A_667 = arith.constant 15 : i32
                %rev3A_668 = vector.broadcast %rev3A_667 : i32 to vector<16xi32>
                %rev3A_669 = tpu.iota {dimensions = array<i32: 0>} : vector<16xi32>
                %rev3A_670 = arith.subi %rev3A_668, %rev3A_669 : vector<16xi32>
                %rev3A_671 = tpu.dynamic_gather %masked_sort3A_662[%rev3A_670] in [0] : vector<16xi32>, vector<16xi32> -> vector<16xi32>
                %lt3A_672 = arith.cmpf olt, %cond3A_643#0, %rev3A_666 : vector<16xf32>
                %eq3A_673 = arith.cmpf oeq, %cond3A_643#0, %rev3A_666 : vector<16xf32>
                %lt3A_674 = arith.cmpi slt, %cond3A_643#1, %rev3A_671 : vector<16xi32>
                %and3A_675 = arith.andi %eq3A_673, %lt3A_674 : vector<16xi1>
                %or3A_676 = arith.ori %lt3A_672, %and3A_675 : vector<16xi1>
                %select_n3A_677 = arith.select %or3A_676, %cond3A_643#0, %rev3A_666 : vector<16xi1>, vector<16xf32>
                %select_n3A_678 = arith.select %or3A_676, %cond3A_643#1, %rev3A_671 : vector<16xi1>, vector<16xi32>
                %masked_sort3A_679 = arith.constant dense<true> : vector<16xi1>
                %masked_sort3A_680, %masked_sort3A_681, %masked_sort3A_682 = tpu.sort %select_n3A_677, %select_n3A_678 masked %masked_sort3A_679 : (vector<16xf32>, vector<16xi32>, vector<16xi1>) -> (vector<16xi1>, vector<16xf32>, vector<16xi32>)
                %lt3A_683 = arith.constant 0 : i32
                %lt3A_684 = vector.broadcast %lt3A_683 : i32 to vector<16xi32>
                %lt3A_685 = arith.cmpi slt, %broadcast_in_dim3A_38, %lt3A_684 : vector<16xi32>
                %add3A_686 = arith.constant 16 : i32
                %add3A_687 = vector.broadcast %add3A_686 : i32 to vector<16xi32>
                %add3A_688 = arith.addi %broadcast_in_dim3A_38, %add3A_687 : vector<16xi32>
                %select_n3A_689 = arith.select %lt3A_685, %add3A_688, %broadcast_in_dim3A_38 : vector<16xi1>, vector<16xi32>
                %broadcast_in_dim3A_690 = vector.shape_cast %select_n3A_689 : vector<16xi32> to vector<16x1xi32>
                %gather3A_691 = vector.shape_cast %broadcast_in_dim3A_690 : vector<16x1xi32> to vector<16xi32>
                %gather3A_692 = tpu.dynamic_gather %masked_sort3A_681[%gather3A_691] in [0] : vector<16xf32>, vector<16xi32> -> vector<16xf32>
                scf.yield %masked_sort3A_681, %masked_sort3A_682, %gather3A_692 : vector<16xf32>, vector<16xi32>, vector<16xf32>
              } else {
                scf.yield %cond3A_643#0, %cond3A_643#1, %cond3A_643#2 : vector<16xf32>, vector<16xi32>, vector<16xf32>
              }
              scf.yield %cond3A_659#0, %cond3A_659#1, %cond3A_659#2 : vector<16xf32>, vector<16xi32>, vector<16xf32>
            } else {
              scf.yield %scan3A_320, %scan3A_321, %scan3A_322 : vector<16xf32>, vector<16xi32>, vector<16xf32>
            }
            %all_reduce_population_count3A_569 = tpu.all_reduce %lt3A_546 {dim = 0 : i64, kind = #tpu.reduction_kind<sum>} : vector<16xi1> -> vector<16xi32>
            %slice3A_570 = vector.extract_strided_slice %all_reduce_population_count3A_569 {offsets = [0], sizes = [1], strides = [1]} : vector<16xi32> to vector<1xi32>
            %squeeze3A_571 = vector.extract %slice3A_570[0] : i32 from vector<1xi32>
            %gt3A_572 = arith.constant 0 : i32
            %gt3A_573 = arith.cmpi sgt, %squeeze3A_571, %gt3A_572 : i32
            %convert_element_type3A_574 = arith.extui %gt3A_573 : i1 to i32
            %cond3A_575 = arith.constant 0 : i32
            %cond3A_576 = arith.cmpi ne, %convert_element_type3A_574, %cond3A_575 : i32
            %cond3A_577:3 = scf.if %cond3A_576 -> (vector<16xf32>, vector<16xi32>, vector<16xf32>) {
              %mul3A_596 = arith.constant 64 : i32
              %mul3A_597 = arith.muli %scan3A_319, %mul3A_596 : i32
              %add3A_598 = arith.constant 0 : i32
              %add3A_599 = arith.addi %mul3A_597, %add3A_598 : i32
              %add3A_600 = vector.broadcast %add3A_599 : i32 to vector<16xi32>
              %add3A_601 = arith.addi %iota3A, %add3A_600 : vector<16xi32>
              %lt3A_602 = arith.cmpf olt, %add3A_363, %scan3A_325 : vector<16xf32>
              %all_reduce_population_count3A_603 = tpu.all_reduce %lt3A_602 {dim = 0 : i64, kind = #tpu.reduction_kind<sum>} : vector<16xi1> -> vector<16xi32>
              %slice3A_604 = vector.extract_strided_slice %all_reduce_population_count3A_603 {offsets = [0], sizes = [1], strides = [1]} : vector<16xi32> to vector<1xi32>
              %squeeze3A_605 = vector.extract %slice3A_604[0] : i32 from vector<1xi32>
              %gt3A_606 = arith.constant 0 : i32
              %gt3A_607 = arith.cmpi sgt, %squeeze3A_605, %gt3A_606 : i32
              %convert_element_type3A_608 = arith.extui %gt3A_607 : i1 to i32
              %cond3A_609 = arith.constant 0 : i32
              %cond3A_610 = arith.cmpi ne, %convert_element_type3A_608, %cond3A_609 : i32
              %cond3A_611:3 = scf.if %cond3A_610 -> (vector<16xf32>, vector<16xi32>, vector<16xf32>) {
                %masked_sort3A = arith.constant dense<true> : vector<16xi1>
                %masked_sort3A_660, %masked_sort3A_661, %masked_sort3A_662 = tpu.sort %add3A_363, %add3A_601 masked %masked_sort3A : (vector<16xf32>, vector<16xi32>, vector<16xi1>) -> (vector<16xi1>, vector<16xf32>, vector<16xi32>)
                %rev3A = arith.constant 15 : i32
                %rev3A_663 = vector.broadcast %rev3A : i32 to vector<16xi32>
                %rev3A_664 = tpu.iota {dimensions = array<i32: 0>} : vector<16xi32>
                %rev3A_665 = arith.subi %rev3A_663, %rev3A_664 : vector<16xi32>
                %rev3A_666 = tpu.dynamic_gather %masked_sort3A_661[%rev3A_665] in [0] : vector<16xf32>, vector<16xi32> -> vector<16xf32>
                %rev3A_667 = arith.constant 15 : i32
                %rev3A_668 = vector.broadcast %rev3A_667 : i32 to vector<16xi32>
                %rev3A_669 = tpu.iota {dimensions = array<i32: 0>} : vector<16xi32>
                %rev3A_670 = arith.subi %rev3A_668, %rev3A_669 : vector<16xi32>
                %rev3A_671 = tpu.dynamic_gather %masked_sort3A_662[%rev3A_670] in [0] : vector<16xi32>, vector<16xi32> -> vector<16xi32>
                %lt3A_672 = arith.cmpf olt, %scan3A_323, %rev3A_666 : vector<16xf32>
                %eq3A_673 = arith.cmpf oeq, %scan3A_323, %rev3A_666 : vector<16xf32>
                %lt3A_674 = arith.cmpi slt, %scan3A_324, %rev3A_671 : vector<16xi32>
                %and3A_675 = arith.andi %eq3A_673, %lt3A_674 : vector<16xi1>
                %or3A_676 = arith.ori %lt3A_672, %and3A_675 : vector<16xi1>
                %select_n3A_677 = arith.select %or3A_676, %scan3A_323, %rev3A_666 : vector<16xi1>, vector<16xf32>
                %select_n3A_678 = arith.select %or3A_676, %scan3A_324, %rev3A_671 : vector<16xi1>, vector<16xi32>
                %masked_sort3A_679 = arith.constant dense<true> : vector<16xi1>
                %masked_sort3A_680, %masked_sort3A_681, %masked_sort3A_682 = tpu.sort %select_n3A_677, %select_n3A_678 masked %masked_sort3A_679 : (vector<16xf32>, vector<16xi32>, vector<16xi1>) -> (vector<16xi1>, vector<16xf32>, vector<16xi32>)
                %lt3A_683 = arith.constant 0 : i32
                %lt3A_684 = vector.broadcast %lt3A_683 : i32 to vector<16xi32>
                %lt3A_685 = arith.cmpi slt, %broadcast_in_dim3A_38, %lt3A_684 : vector<16xi32>
                %add3A_686 = arith.constant 16 : i32
                %add3A_687 = vector.broadcast %add3A_686 : i32 to vector<16xi32>
                %add3A_688 = arith.addi %broadcast_in_dim3A_38, %add3A_687 : vector<16xi32>
                %select_n3A_689 = arith.select %lt3A_685, %add3A_688, %broadcast_in_dim3A_38 : vector<16xi1>, vector<16xi32>
                %broadcast_in_dim3A_690 = vector.shape_cast %select_n3A_689 : vector<16xi32> to vector<16x1xi32>
                %gather3A_691 = vector.shape_cast %broadcast_in_dim3A_690 : vector<16x1xi32> to vector<16xi32>
                %gather3A_692 = tpu.dynamic_gather %masked_sort3A_681[%gather3A_691] in [0] : vector<16xf32>, vector<16xi32> -> vector<16xf32>
                scf.yield %masked_sort3A_681, %masked_sort3A_682, %gather3A_692 : vector<16xf32>, vector<16xi32>, vector<16xf32>
              } else {
                scf.yield %scan3A_323, %scan3A_324, %scan3A_325 : vector<16xf32>, vector<16xi32>, vector<16xf32>
              }
              %mul3A_612 = arith.constant 64 : i32
              %mul3A_613 = arith.muli %scan3A_319, %mul3A_612 : i32
              %add3A_614 = arith.constant 16 : i32
              %add3A_615 = arith.addi %mul3A_613, %add3A_614 : i32
              %add3A_616 = vector.broadcast %add3A_615 : i32 to vector<16xi32>
              %add3A_617 = arith.addi %iota3A, %add3A_616 : vector<16xi32>
              %lt3A_618 = arith.cmpf olt, %add3A_415, %cond3A_611#2 : vector<16xf32>
              %all_reduce_population_count3A_619 = tpu.all_reduce %lt3A_618 {dim = 0 : i64, kind = #tpu.reduction_kind<sum>} : vector<16xi1> -> vector<16xi32>
              %slice3A_620 = vector.extract_strided_slice %all_reduce_population_count3A_619 {offsets = [0], sizes = [1], strides = [1]} : vector<16xi32> to vector<1xi32>
              %squeeze3A_621 = vector.extract %slice3A_620[0] : i32 from vector<1xi32>
              %gt3A_622 = arith.constant 0 : i32
              %gt3A_623 = arith.cmpi sgt, %squeeze3A_621, %gt3A_622 : i32
              %convert_element_type3A_624 = arith.extui %gt3A_623 : i1 to i32
              %cond3A_625 = arith.constant 0 : i32
              %cond3A_626 = arith.cmpi ne, %convert_element_type3A_624, %cond3A_625 : i32
              %cond3A_627:3 = scf.if %cond3A_626 -> (vector<16xf32>, vector<16xi32>, vector<16xf32>) {
                %masked_sort3A = arith.constant dense<true> : vector<16xi1>
                %masked_sort3A_660, %masked_sort3A_661, %masked_sort3A_662 = tpu.sort %add3A_415, %add3A_617 masked %masked_sort3A : (vector<16xf32>, vector<16xi32>, vector<16xi1>) -> (vector<16xi1>, vector<16xf32>, vector<16xi32>)
                %rev3A = arith.constant 15 : i32
                %rev3A_663 = vector.broadcast %rev3A : i32 to vector<16xi32>
                %rev3A_664 = tpu.iota {dimensions = array<i32: 0>} : vector<16xi32>
                %rev3A_665 = arith.subi %rev3A_663, %rev3A_664 : vector<16xi32>
                %rev3A_666 = tpu.dynamic_gather %masked_sort3A_661[%rev3A_665] in [0] : vector<16xf32>, vector<16xi32> -> vector<16xf32>
                %rev3A_667 = arith.constant 15 : i32
                %rev3A_668 = vector.broadcast %rev3A_667 : i32 to vector<16xi32>
                %rev3A_669 = tpu.iota {dimensions = array<i32: 0>} : vector<16xi32>
                %rev3A_670 = arith.subi %rev3A_668, %rev3A_669 : vector<16xi32>
                %rev3A_671 = tpu.dynamic_gather %masked_sort3A_662[%rev3A_670] in [0] : vector<16xi32>, vector<16xi32> -> vector<16xi32>
                %lt3A_672 = arith.cmpf olt, %cond3A_611#0, %rev3A_666 : vector<16xf32>
                %eq3A_673 = arith.cmpf oeq, %cond3A_611#0, %rev3A_666 : vector<16xf32>
                %lt3A_674 = arith.cmpi slt, %cond3A_611#1, %rev3A_671 : vector<16xi32>
                %and3A_675 = arith.andi %eq3A_673, %lt3A_674 : vector<16xi1>
                %or3A_676 = arith.ori %lt3A_672, %and3A_675 : vector<16xi1>
                %select_n3A_677 = arith.select %or3A_676, %cond3A_611#0, %rev3A_666 : vector<16xi1>, vector<16xf32>
                %select_n3A_678 = arith.select %or3A_676, %cond3A_611#1, %rev3A_671 : vector<16xi1>, vector<16xi32>
                %masked_sort3A_679 = arith.constant dense<true> : vector<16xi1>
                %masked_sort3A_680, %masked_sort3A_681, %masked_sort3A_682 = tpu.sort %select_n3A_677, %select_n3A_678 masked %masked_sort3A_679 : (vector<16xf32>, vector<16xi32>, vector<16xi1>) -> (vector<16xi1>, vector<16xf32>, vector<16xi32>)
                %lt3A_683 = arith.constant 0 : i32
                %lt3A_684 = vector.broadcast %lt3A_683 : i32 to vector<16xi32>
                %lt3A_685 = arith.cmpi slt, %broadcast_in_dim3A_38, %lt3A_684 : vector<16xi32>
                %add3A_686 = arith.constant 16 : i32
                %add3A_687 = vector.broadcast %add3A_686 : i32 to vector<16xi32>
                %add3A_688 = arith.addi %broadcast_in_dim3A_38, %add3A_687 : vector<16xi32>
                %select_n3A_689 = arith.select %lt3A_685, %add3A_688, %broadcast_in_dim3A_38 : vector<16xi1>, vector<16xi32>
                %broadcast_in_dim3A_690 = vector.shape_cast %select_n3A_689 : vector<16xi32> to vector<16x1xi32>
                %gather3A_691 = vector.shape_cast %broadcast_in_dim3A_690 : vector<16x1xi32> to vector<16xi32>
                %gather3A_692 = tpu.dynamic_gather %masked_sort3A_681[%gather3A_691] in [0] : vector<16xf32>, vector<16xi32> -> vector<16xf32>
                scf.yield %masked_sort3A_681, %masked_sort3A_682, %gather3A_692 : vector<16xf32>, vector<16xi32>, vector<16xf32>
              } else {
                scf.yield %cond3A_611#0, %cond3A_611#1, %cond3A_611#2 : vector<16xf32>, vector<16xi32>, vector<16xf32>
              }
              %mul3A_628 = arith.constant 64 : i32
              %mul3A_629 = arith.muli %scan3A_319, %mul3A_628 : i32
              %add3A_630 = arith.constant 32 : i32
              %add3A_631 = arith.addi %mul3A_629, %add3A_630 : i32
              %add3A_632 = vector.broadcast %add3A_631 : i32 to vector<16xi32>
              %add3A_633 = arith.addi %iota3A, %add3A_632 : vector<16xi32>
              %lt3A_634 = arith.cmpf olt, %add3A_467, %cond3A_627#2 : vector<16xf32>
              %all_reduce_population_count3A_635 = tpu.all_reduce %lt3A_634 {dim = 0 : i64, kind = #tpu.reduction_kind<sum>} : vector<16xi1> -> vector<16xi32>
              %slice3A_636 = vector.extract_strided_slice %all_reduce_population_count3A_635 {offsets = [0], sizes = [1], strides = [1]} : vector<16xi32> to vector<1xi32>
              %squeeze3A_637 = vector.extract %slice3A_636[0] : i32 from vector<1xi32>
              %gt3A_638 = arith.constant 0 : i32
              %gt3A_639 = arith.cmpi sgt, %squeeze3A_637, %gt3A_638 : i32
              %convert_element_type3A_640 = arith.extui %gt3A_639 : i1 to i32
              %cond3A_641 = arith.constant 0 : i32
              %cond3A_642 = arith.cmpi ne, %convert_element_type3A_640, %cond3A_641 : i32
              %cond3A_643:3 = scf.if %cond3A_642 -> (vector<16xf32>, vector<16xi32>, vector<16xf32>) {
                %masked_sort3A = arith.constant dense<true> : vector<16xi1>
                %masked_sort3A_660, %masked_sort3A_661, %masked_sort3A_662 = tpu.sort %add3A_467, %add3A_633 masked %masked_sort3A : (vector<16xf32>, vector<16xi32>, vector<16xi1>) -> (vector<16xi1>, vector<16xf32>, vector<16xi32>)
                %rev3A = arith.constant 15 : i32
                %rev3A_663 = vector.broadcast %rev3A : i32 to vector<16xi32>
                %rev3A_664 = tpu.iota {dimensions = array<i32: 0>} : vector<16xi32>
                %rev3A_665 = arith.subi %rev3A_663, %rev3A_664 : vector<16xi32>
                %rev3A_666 = tpu.dynamic_gather %masked_sort3A_661[%rev3A_665] in [0] : vector<16xf32>, vector<16xi32> -> vector<16xf32>
                %rev3A_667 = arith.constant 15 : i32
                %rev3A_668 = vector.broadcast %rev3A_667 : i32 to vector<16xi32>
                %rev3A_669 = tpu.iota {dimensions = array<i32: 0>} : vector<16xi32>
                %rev3A_670 = arith.subi %rev3A_668, %rev3A_669 : vector<16xi32>
                %rev3A_671 = tpu.dynamic_gather %masked_sort3A_662[%rev3A_670] in [0] : vector<16xi32>, vector<16xi32> -> vector<16xi32>
                %lt3A_672 = arith.cmpf olt, %cond3A_627#0, %rev3A_666 : vector<16xf32>
                %eq3A_673 = arith.cmpf oeq, %cond3A_627#0, %rev3A_666 : vector<16xf32>
                %lt3A_674 = arith.cmpi slt, %cond3A_627#1, %rev3A_671 : vector<16xi32>
                %and3A_675 = arith.andi %eq3A_673, %lt3A_674 : vector<16xi1>
                %or3A_676 = arith.ori %lt3A_672, %and3A_675 : vector<16xi1>
                %select_n3A_677 = arith.select %or3A_676, %cond3A_627#0, %rev3A_666 : vector<16xi1>, vector<16xf32>
                %select_n3A_678 = arith.select %or3A_676, %cond3A_627#1, %rev3A_671 : vector<16xi1>, vector<16xi32>
                %masked_sort3A_679 = arith.constant dense<true> : vector<16xi1>
                %masked_sort3A_680, %masked_sort3A_681, %masked_sort3A_682 = tpu.sort %select_n3A_677, %select_n3A_678 masked %masked_sort3A_679 : (vector<16xf32>, vector<16xi32>, vector<16xi1>) -> (vector<16xi1>, vector<16xf32>, vector<16xi32>)
                %lt3A_683 = arith.constant 0 : i32
                %lt3A_684 = vector.broadcast %lt3A_683 : i32 to vector<16xi32>
                %lt3A_685 = arith.cmpi slt, %broadcast_in_dim3A_38, %lt3A_684 : vector<16xi32>
                %add3A_686 = arith.constant 16 : i32
                %add3A_687 = vector.broadcast %add3A_686 : i32 to vector<16xi32>
                %add3A_688 = arith.addi %broadcast_in_dim3A_38, %add3A_687 : vector<16xi32>
                %select_n3A_689 = arith.select %lt3A_685, %add3A_688, %broadcast_in_dim3A_38 : vector<16xi1>, vector<16xi32>
                %broadcast_in_dim3A_690 = vector.shape_cast %select_n3A_689 : vector<16xi32> to vector<16x1xi32>
                %gather3A_691 = vector.shape_cast %broadcast_in_dim3A_690 : vector<16x1xi32> to vector<16xi32>
                %gather3A_692 = tpu.dynamic_gather %masked_sort3A_681[%gather3A_691] in [0] : vector<16xf32>, vector<16xi32> -> vector<16xf32>
                scf.yield %masked_sort3A_681, %masked_sort3A_682, %gather3A_692 : vector<16xf32>, vector<16xi32>, vector<16xf32>
              } else {
                scf.yield %cond3A_627#0, %cond3A_627#1, %cond3A_627#2 : vector<16xf32>, vector<16xi32>, vector<16xf32>
              }
              %mul3A_644 = arith.constant 64 : i32
              %mul3A_645 = arith.muli %scan3A_319, %mul3A_644 : i32
              %add3A_646 = arith.constant 48 : i32
              %add3A_647 = arith.addi %mul3A_645, %add3A_646 : i32
              %add3A_648 = vector.broadcast %add3A_647 : i32 to vector<16xi32>
              %add3A_649 = arith.addi %iota3A, %add3A_648 : vector<16xi32>
              %lt3A_650 = arith.cmpf olt, %add3A_519, %cond3A_643#2 : vector<16xf32>
              %all_reduce_population_count3A_651 = tpu.all_reduce %lt3A_650 {dim = 0 : i64, kind = #tpu.reduction_kind<sum>} : vector<16xi1> -> vector<16xi32>
              %slice3A_652 = vector.extract_strided_slice %all_reduce_population_count3A_651 {offsets = [0], sizes = [1], strides = [1]} : vector<16xi32> to vector<1xi32>
              %squeeze3A_653 = vector.extract %slice3A_652[0] : i32 from vector<1xi32>
              %gt3A_654 = arith.constant 0 : i32
              %gt3A_655 = arith.cmpi sgt, %squeeze3A_653, %gt3A_654 : i32
              %convert_element_type3A_656 = arith.extui %gt3A_655 : i1 to i32
              %cond3A_657 = arith.constant 0 : i32
              %cond3A_658 = arith.cmpi ne, %convert_element_type3A_656, %cond3A_657 : i32
              %cond3A_659:3 = scf.if %cond3A_658 -> (vector<16xf32>, vector<16xi32>, vector<16xf32>) {
                %masked_sort3A = arith.constant dense<true> : vector<16xi1>
                %masked_sort3A_660, %masked_sort3A_661, %masked_sort3A_662 = tpu.sort %add3A_519, %add3A_649 masked %masked_sort3A : (vector<16xf32>, vector<16xi32>, vector<16xi1>) -> (vector<16xi1>, vector<16xf32>, vector<16xi32>)
                %rev3A = arith.constant 15 : i32
                %rev3A_663 = vector.broadcast %rev3A : i32 to vector<16xi32>
                %rev3A_664 = tpu.iota {dimensions = array<i32: 0>} : vector<16xi32>
                %rev3A_665 = arith.subi %rev3A_663, %rev3A_664 : vector<16xi32>
                %rev3A_666 = tpu.dynamic_gather %masked_sort3A_661[%rev3A_665] in [0] : vector<16xf32>, vector<16xi32> -> vector<16xf32>
                %rev3A_667 = arith.constant 15 : i32
                %rev3A_668 = vector.broadcast %rev3A_667 : i32 to vector<16xi32>
                %rev3A_669 = tpu.iota {dimensions = array<i32: 0>} : vector<16xi32>
                %rev3A_670 = arith.subi %rev3A_668, %rev3A_669 : vector<16xi32>
                %rev3A_671 = tpu.dynamic_gather %masked_sort3A_662[%rev3A_670] in [0] : vector<16xi32>, vector<16xi32> -> vector<16xi32>
                %lt3A_672 = arith.cmpf olt, %cond3A_643#0, %rev3A_666 : vector<16xf32>
                %eq3A_673 = arith.cmpf oeq, %cond3A_643#0, %rev3A_666 : vector<16xf32>
                %lt3A_674 = arith.cmpi slt, %cond3A_643#1, %rev3A_671 : vector<16xi32>
                %and3A_675 = arith.andi %eq3A_673, %lt3A_674 : vector<16xi1>
                %or3A_676 = arith.ori %lt3A_672, %and3A_675 : vector<16xi1>
                %select_n3A_677 = arith.select %or3A_676, %cond3A_643#0, %rev3A_666 : vector<16xi1>, vector<16xf32>
                %select_n3A_678 = arith.select %or3A_676, %cond3A_643#1, %rev3A_671 : vector<16xi1>, vector<16xi32>
                %masked_sort3A_679 = arith.constant dense<true> : vector<16xi1>
                %masked_sort3A_680, %masked_sort3A_681, %masked_sort3A_682 = tpu.sort %select_n3A_677, %select_n3A_678 masked %masked_sort3A_679 : (vector<16xf32>, vector<16xi32>, vector<16xi1>) -> (vector<16xi1>, vector<16xf32>, vector<16xi32>)
                %lt3A_683 = arith.constant 0 : i32
                %lt3A_684 = vector.broadcast %lt3A_683 : i32 to vector<16xi32>
                %lt3A_685 = arith.cmpi slt, %broadcast_in_dim3A_38, %lt3A_684 : vector<16xi32>
                %add3A_686 = arith.constant 16 : i32
                %add3A_687 = vector.broadcast %add3A_686 : i32 to vector<16xi32>
                %add3A_688 = arith.addi %broadcast_in_dim3A_38, %add3A_687 : vector<16xi32>
                %select_n3A_689 = arith.select %lt3A_685, %add3A_688, %broadcast_in_dim3A_38 : vector<16xi1>, vector<16xi32>
                %broadcast_in_dim3A_690 = vector.shape_cast %select_n3A_689 : vector<16xi32> to vector<16x1xi32>
                %gather3A_691 = vector.shape_cast %broadcast_in_dim3A_690 : vector<16x1xi32> to vector<16xi32>
                %gather3A_692 = tpu.dynamic_gather %masked_sort3A_681[%gather3A_691] in [0] : vector<16xf32>, vector<16xi32> -> vector<16xf32>
                scf.yield %masked_sort3A_681, %masked_sort3A_682, %gather3A_692 : vector<16xf32>, vector<16xi32>, vector<16xf32>
              } else {
                scf.yield %cond3A_643#0, %cond3A_643#1, %cond3A_643#2 : vector<16xf32>, vector<16xi32>, vector<16xf32>
              }
              scf.yield %cond3A_659#0, %cond3A_659#1, %cond3A_659#2 : vector<16xf32>, vector<16xi32>, vector<16xf32>
            } else {
              scf.yield %scan3A_323, %scan3A_324, %scan3A_325 : vector<16xf32>, vector<16xi32>, vector<16xf32>
            }
            %all_reduce_population_count3A_578 = tpu.all_reduce %lt3A_550 {dim = 0 : i64, kind = #tpu.reduction_kind<sum>} : vector<16xi1> -> vector<16xi32>
            %slice3A_579 = vector.extract_strided_slice %all_reduce_population_count3A_578 {offsets = [0], sizes = [1], strides = [1]} : vector<16xi32> to vector<1xi32>
            %squeeze3A_580 = vector.extract %slice3A_579[0] : i32 from vector<1xi32>
            %gt3A_581 = arith.constant 0 : i32
            %gt3A_582 = arith.cmpi sgt, %squeeze3A_580, %gt3A_581 : i32
            %convert_element_type3A_583 = arith.extui %gt3A_582 : i1 to i32
            %cond3A_584 = arith.constant 0 : i32
            %cond3A_585 = arith.cmpi ne, %convert_element_type3A_583, %cond3A_584 : i32
            %cond3A_586:3 = scf.if %cond3A_585 -> (vector<16xf32>, vector<16xi32>, vector<16xf32>) {
              %mul3A_596 = arith.constant 64 : i32
              %mul3A_597 = arith.muli %scan3A_319, %mul3A_596 : i32
              %add3A_598 = arith.constant 0 : i32
              %add3A_599 = arith.addi %mul3A_597, %add3A_598 : i32
              %add3A_600 = vector.broadcast %add3A_599 : i32 to vector<16xi32>
              %add3A_601 = arith.addi %iota3A, %add3A_600 : vector<16xi32>
              %lt3A_602 = arith.cmpf olt, %add3A_373, %scan3A_328 : vector<16xf32>
              %all_reduce_population_count3A_603 = tpu.all_reduce %lt3A_602 {dim = 0 : i64, kind = #tpu.reduction_kind<sum>} : vector<16xi1> -> vector<16xi32>
              %slice3A_604 = vector.extract_strided_slice %all_reduce_population_count3A_603 {offsets = [0], sizes = [1], strides = [1]} : vector<16xi32> to vector<1xi32>
              %squeeze3A_605 = vector.extract %slice3A_604[0] : i32 from vector<1xi32>
              %gt3A_606 = arith.constant 0 : i32
              %gt3A_607 = arith.cmpi sgt, %squeeze3A_605, %gt3A_606 : i32
              %convert_element_type3A_608 = arith.extui %gt3A_607 : i1 to i32
              %cond3A_609 = arith.constant 0 : i32
              %cond3A_610 = arith.cmpi ne, %convert_element_type3A_608, %cond3A_609 : i32
              %cond3A_611:3 = scf.if %cond3A_610 -> (vector<16xf32>, vector<16xi32>, vector<16xf32>) {
                %masked_sort3A = arith.constant dense<true> : vector<16xi1>
                %masked_sort3A_660, %masked_sort3A_661, %masked_sort3A_662 = tpu.sort %add3A_373, %add3A_601 masked %masked_sort3A : (vector<16xf32>, vector<16xi32>, vector<16xi1>) -> (vector<16xi1>, vector<16xf32>, vector<16xi32>)
                %rev3A = arith.constant 15 : i32
                %rev3A_663 = vector.broadcast %rev3A : i32 to vector<16xi32>
                %rev3A_664 = tpu.iota {dimensions = array<i32: 0>} : vector<16xi32>
                %rev3A_665 = arith.subi %rev3A_663, %rev3A_664 : vector<16xi32>
                %rev3A_666 = tpu.dynamic_gather %masked_sort3A_661[%rev3A_665] in [0] : vector<16xf32>, vector<16xi32> -> vector<16xf32>
                %rev3A_667 = arith.constant 15 : i32
                %rev3A_668 = vector.broadcast %rev3A_667 : i32 to vector<16xi32>
                %rev3A_669 = tpu.iota {dimensions = array<i32: 0>} : vector<16xi32>
                %rev3A_670 = arith.subi %rev3A_668, %rev3A_669 : vector<16xi32>
                %rev3A_671 = tpu.dynamic_gather %masked_sort3A_662[%rev3A_670] in [0] : vector<16xi32>, vector<16xi32> -> vector<16xi32>
                %lt3A_672 = arith.cmpf olt, %scan3A_326, %rev3A_666 : vector<16xf32>
                %eq3A_673 = arith.cmpf oeq, %scan3A_326, %rev3A_666 : vector<16xf32>
                %lt3A_674 = arith.cmpi slt, %scan3A_327, %rev3A_671 : vector<16xi32>
                %and3A_675 = arith.andi %eq3A_673, %lt3A_674 : vector<16xi1>
                %or3A_676 = arith.ori %lt3A_672, %and3A_675 : vector<16xi1>
                %select_n3A_677 = arith.select %or3A_676, %scan3A_326, %rev3A_666 : vector<16xi1>, vector<16xf32>
                %select_n3A_678 = arith.select %or3A_676, %scan3A_327, %rev3A_671 : vector<16xi1>, vector<16xi32>
                %masked_sort3A_679 = arith.constant dense<true> : vector<16xi1>
                %masked_sort3A_680, %masked_sort3A_681, %masked_sort3A_682 = tpu.sort %select_n3A_677, %select_n3A_678 masked %masked_sort3A_679 : (vector<16xf32>, vector<16xi32>, vector<16xi1>) -> (vector<16xi1>, vector<16xf32>, vector<16xi32>)
                %lt3A_683 = arith.constant 0 : i32
                %lt3A_684 = vector.broadcast %lt3A_683 : i32 to vector<16xi32>
                %lt3A_685 = arith.cmpi slt, %broadcast_in_dim3A_38, %lt3A_684 : vector<16xi32>
                %add3A_686 = arith.constant 16 : i32
                %add3A_687 = vector.broadcast %add3A_686 : i32 to vector<16xi32>
                %add3A_688 = arith.addi %broadcast_in_dim3A_38, %add3A_687 : vector<16xi32>
                %select_n3A_689 = arith.select %lt3A_685, %add3A_688, %broadcast_in_dim3A_38 : vector<16xi1>, vector<16xi32>
                %broadcast_in_dim3A_690 = vector.shape_cast %select_n3A_689 : vector<16xi32> to vector<16x1xi32>
                %gather3A_691 = vector.shape_cast %broadcast_in_dim3A_690 : vector<16x1xi32> to vector<16xi32>
                %gather3A_692 = tpu.dynamic_gather %masked_sort3A_681[%gather3A_691] in [0] : vector<16xf32>, vector<16xi32> -> vector<16xf32>
                scf.yield %masked_sort3A_681, %masked_sort3A_682, %gather3A_692 : vector<16xf32>, vector<16xi32>, vector<16xf32>
              } else {
                scf.yield %scan3A_326, %scan3A_327, %scan3A_328 : vector<16xf32>, vector<16xi32>, vector<16xf32>
              }
              %mul3A_612 = arith.constant 64 : i32
              %mul3A_613 = arith.muli %scan3A_319, %mul3A_612 : i32
              %add3A_614 = arith.constant 16 : i32
              %add3A_615 = arith.addi %mul3A_613, %add3A_614 : i32
              %add3A_616 = vector.broadcast %add3A_615 : i32 to vector<16xi32>
              %add3A_617 = arith.addi %iota3A, %add3A_616 : vector<16xi32>
              %lt3A_618 = arith.cmpf olt, %add3A_425, %cond3A_611#2 : vector<16xf32>
              %all_reduce_population_count3A_619 = tpu.all_reduce %lt3A_618 {dim = 0 : i64, kind = #tpu.reduction_kind<sum>} : vector<16xi1> -> vector<16xi32>
              %slice3A_620 = vector.extract_strided_slice %all_reduce_population_count3A_619 {offsets = [0], sizes = [1], strides = [1]} : vector<16xi32> to vector<1xi32>
              %squeeze3A_621 = vector.extract %slice3A_620[0] : i32 from vector<1xi32>
              %gt3A_622 = arith.constant 0 : i32
              %gt3A_623 = arith.cmpi sgt, %squeeze3A_621, %gt3A_622 : i32
              %convert_element_type3A_624 = arith.extui %gt3A_623 : i1 to i32
              %cond3A_625 = arith.constant 0 : i32
              %cond3A_626 = arith.cmpi ne, %convert_element_type3A_624, %cond3A_625 : i32
              %cond3A_627:3 = scf.if %cond3A_626 -> (vector<16xf32>, vector<16xi32>, vector<16xf32>) {
                %masked_sort3A = arith.constant dense<true> : vector<16xi1>
                %masked_sort3A_660, %masked_sort3A_661, %masked_sort3A_662 = tpu.sort %add3A_425, %add3A_617 masked %masked_sort3A : (vector<16xf32>, vector<16xi32>, vector<16xi1>) -> (vector<16xi1>, vector<16xf32>, vector<16xi32>)
                %rev3A = arith.constant 15 : i32
                %rev3A_663 = vector.broadcast %rev3A : i32 to vector<16xi32>
                %rev3A_664 = tpu.iota {dimensions = array<i32: 0>} : vector<16xi32>
                %rev3A_665 = arith.subi %rev3A_663, %rev3A_664 : vector<16xi32>
                %rev3A_666 = tpu.dynamic_gather %masked_sort3A_661[%rev3A_665] in [0] : vector<16xf32>, vector<16xi32> -> vector<16xf32>
                %rev3A_667 = arith.constant 15 : i32
                %rev3A_668 = vector.broadcast %rev3A_667 : i32 to vector<16xi32>
                %rev3A_669 = tpu.iota {dimensions = array<i32: 0>} : vector<16xi32>
                %rev3A_670 = arith.subi %rev3A_668, %rev3A_669 : vector<16xi32>
                %rev3A_671 = tpu.dynamic_gather %masked_sort3A_662[%rev3A_670] in [0] : vector<16xi32>, vector<16xi32> -> vector<16xi32>
                %lt3A_672 = arith.cmpf olt, %cond3A_611#0, %rev3A_666 : vector<16xf32>
                %eq3A_673 = arith.cmpf oeq, %cond3A_611#0, %rev3A_666 : vector<16xf32>
                %lt3A_674 = arith.cmpi slt, %cond3A_611#1, %rev3A_671 : vector<16xi32>
                %and3A_675 = arith.andi %eq3A_673, %lt3A_674 : vector<16xi1>
                %or3A_676 = arith.ori %lt3A_672, %and3A_675 : vector<16xi1>
                %select_n3A_677 = arith.select %or3A_676, %cond3A_611#0, %rev3A_666 : vector<16xi1>, vector<16xf32>
                %select_n3A_678 = arith.select %or3A_676, %cond3A_611#1, %rev3A_671 : vector<16xi1>, vector<16xi32>
                %masked_sort3A_679 = arith.constant dense<true> : vector<16xi1>
                %masked_sort3A_680, %masked_sort3A_681, %masked_sort3A_682 = tpu.sort %select_n3A_677, %select_n3A_678 masked %masked_sort3A_679 : (vector<16xf32>, vector<16xi32>, vector<16xi1>) -> (vector<16xi1>, vector<16xf32>, vector<16xi32>)
                %lt3A_683 = arith.constant 0 : i32
                %lt3A_684 = vector.broadcast %lt3A_683 : i32 to vector<16xi32>
                %lt3A_685 = arith.cmpi slt, %broadcast_in_dim3A_38, %lt3A_684 : vector<16xi32>
                %add3A_686 = arith.constant 16 : i32
                %add3A_687 = vector.broadcast %add3A_686 : i32 to vector<16xi32>
                %add3A_688 = arith.addi %broadcast_in_dim3A_38, %add3A_687 : vector<16xi32>
                %select_n3A_689 = arith.select %lt3A_685, %add3A_688, %broadcast_in_dim3A_38 : vector<16xi1>, vector<16xi32>
                %broadcast_in_dim3A_690 = vector.shape_cast %select_n3A_689 : vector<16xi32> to vector<16x1xi32>
                %gather3A_691 = vector.shape_cast %broadcast_in_dim3A_690 : vector<16x1xi32> to vector<16xi32>
                %gather3A_692 = tpu.dynamic_gather %masked_sort3A_681[%gather3A_691] in [0] : vector<16xf32>, vector<16xi32> -> vector<16xf32>
                scf.yield %masked_sort3A_681, %masked_sort3A_682, %gather3A_692 : vector<16xf32>, vector<16xi32>, vector<16xf32>
              } else {
                scf.yield %cond3A_611#0, %cond3A_611#1, %cond3A_611#2 : vector<16xf32>, vector<16xi32>, vector<16xf32>
              }
              %mul3A_628 = arith.constant 64 : i32
              %mul3A_629 = arith.muli %scan3A_319, %mul3A_628 : i32
              %add3A_630 = arith.constant 32 : i32
              %add3A_631 = arith.addi %mul3A_629, %add3A_630 : i32
              %add3A_632 = vector.broadcast %add3A_631 : i32 to vector<16xi32>
              %add3A_633 = arith.addi %iota3A, %add3A_632 : vector<16xi32>
              %lt3A_634 = arith.cmpf olt, %add3A_477, %cond3A_627#2 : vector<16xf32>
              %all_reduce_population_count3A_635 = tpu.all_reduce %lt3A_634 {dim = 0 : i64, kind = #tpu.reduction_kind<sum>} : vector<16xi1> -> vector<16xi32>
              %slice3A_636 = vector.extract_strided_slice %all_reduce_population_count3A_635 {offsets = [0], sizes = [1], strides = [1]} : vector<16xi32> to vector<1xi32>
              %squeeze3A_637 = vector.extract %slice3A_636[0] : i32 from vector<1xi32>
              %gt3A_638 = arith.constant 0 : i32
              %gt3A_639 = arith.cmpi sgt, %squeeze3A_637, %gt3A_638 : i32
              %convert_element_type3A_640 = arith.extui %gt3A_639 : i1 to i32
              %cond3A_641 = arith.constant 0 : i32
              %cond3A_642 = arith.cmpi ne, %convert_element_type3A_640, %cond3A_641 : i32
              %cond3A_643:3 = scf.if %cond3A_642 -> (vector<16xf32>, vector<16xi32>, vector<16xf32>) {
                %masked_sort3A = arith.constant dense<true> : vector<16xi1>
                %masked_sort3A_660, %masked_sort3A_661, %masked_sort3A_662 = tpu.sort %add3A_477, %add3A_633 masked %masked_sort3A : (vector<16xf32>, vector<16xi32>, vector<16xi1>) -> (vector<16xi1>, vector<16xf32>, vector<16xi32>)
                %rev3A = arith.constant 15 : i32
                %rev3A_663 = vector.broadcast %rev3A : i32 to vector<16xi32>
                %rev3A_664 = tpu.iota {dimensions = array<i32: 0>} : vector<16xi32>
                %rev3A_665 = arith.subi %rev3A_663, %rev3A_664 : vector<16xi32>
                %rev3A_666 = tpu.dynamic_gather %masked_sort3A_661[%rev3A_665] in [0] : vector<16xf32>, vector<16xi32> -> vector<16xf32>
                %rev3A_667 = arith.constant 15 : i32
                %rev3A_668 = vector.broadcast %rev3A_667 : i32 to vector<16xi32>
                %rev3A_669 = tpu.iota {dimensions = array<i32: 0>} : vector<16xi32>
                %rev3A_670 = arith.subi %rev3A_668, %rev3A_669 : vector<16xi32>
                %rev3A_671 = tpu.dynamic_gather %masked_sort3A_662[%rev3A_670] in [0] : vector<16xi32>, vector<16xi32> -> vector<16xi32>
                %lt3A_672 = arith.cmpf olt, %cond3A_627#0, %rev3A_666 : vector<16xf32>
                %eq3A_673 = arith.cmpf oeq, %cond3A_627#0, %rev3A_666 : vector<16xf32>
                %lt3A_674 = arith.cmpi slt, %cond3A_627#1, %rev3A_671 : vector<16xi32>
                %and3A_675 = arith.andi %eq3A_673, %lt3A_674 : vector<16xi1>
                %or3A_676 = arith.ori %lt3A_672, %and3A_675 : vector<16xi1>
                %select_n3A_677 = arith.select %or3A_676, %cond3A_627#0, %rev3A_666 : vector<16xi1>, vector<16xf32>
                %select_n3A_678 = arith.select %or3A_676, %cond3A_627#1, %rev3A_671 : vector<16xi1>, vector<16xi32>
                %masked_sort3A_679 = arith.constant dense<true> : vector<16xi1>
                %masked_sort3A_680, %masked_sort3A_681, %masked_sort3A_682 = tpu.sort %select_n3A_677, %select_n3A_678 masked %masked_sort3A_679 : (vector<16xf32>, vector<16xi32>, vector<16xi1>) -> (vector<16xi1>, vector<16xf32>, vector<16xi32>)
                %lt3A_683 = arith.constant 0 : i32
                %lt3A_684 = vector.broadcast %lt3A_683 : i32 to vector<16xi32>
                %lt3A_685 = arith.cmpi slt, %broadcast_in_dim3A_38, %lt3A_684 : vector<16xi32>
                %add3A_686 = arith.constant 16 : i32
                %add3A_687 = vector.broadcast %add3A_686 : i32 to vector<16xi32>
                %add3A_688 = arith.addi %broadcast_in_dim3A_38, %add3A_687 : vector<16xi32>
                %select_n3A_689 = arith.select %lt3A_685, %add3A_688, %broadcast_in_dim3A_38 : vector<16xi1>, vector<16xi32>
                %broadcast_in_dim3A_690 = vector.shape_cast %select_n3A_689 : vector<16xi32> to vector<16x1xi32>
                %gather3A_691 = vector.shape_cast %broadcast_in_dim3A_690 : vector<16x1xi32> to vector<16xi32>
                %gather3A_692 = tpu.dynamic_gather %masked_sort3A_681[%gather3A_691] in [0] : vector<16xf32>, vector<16xi32> -> vector<16xf32>
                scf.yield %masked_sort3A_681, %masked_sort3A_682, %gather3A_692 : vector<16xf32>, vector<16xi32>, vector<16xf32>
              } else {
                scf.yield %cond3A_627#0, %cond3A_627#1, %cond3A_627#2 : vector<16xf32>, vector<16xi32>, vector<16xf32>
              }
              %mul3A_644 = arith.constant 64 : i32
              %mul3A_645 = arith.muli %scan3A_319, %mul3A_644 : i32
              %add3A_646 = arith.constant 48 : i32
              %add3A_647 = arith.addi %mul3A_645, %add3A_646 : i32
              %add3A_648 = vector.broadcast %add3A_647 : i32 to vector<16xi32>
              %add3A_649 = arith.addi %iota3A, %add3A_648 : vector<16xi32>
              %lt3A_650 = arith.cmpf olt, %add3A_529, %cond3A_643#2 : vector<16xf32>
              %all_reduce_population_count3A_651 = tpu.all_reduce %lt3A_650 {dim = 0 : i64, kind = #tpu.reduction_kind<sum>} : vector<16xi1> -> vector<16xi32>
              %slice3A_652 = vector.extract_strided_slice %all_reduce_population_count3A_651 {offsets = [0], sizes = [1], strides = [1]} : vector<16xi32> to vector<1xi32>
              %squeeze3A_653 = vector.extract %slice3A_652[0] : i32 from vector<1xi32>
              %gt3A_654 = arith.constant 0 : i32
              %gt3A_655 = arith.cmpi sgt, %squeeze3A_653, %gt3A_654 : i32
              %convert_element_type3A_656 = arith.extui %gt3A_655 : i1 to i32
              %cond3A_657 = arith.constant 0 : i32
              %cond3A_658 = arith.cmpi ne, %convert_element_type3A_656, %cond3A_657 : i32
              %cond3A_659:3 = scf.if %cond3A_658 -> (vector<16xf32>, vector<16xi32>, vector<16xf32>) {
                %masked_sort3A = arith.constant dense<true> : vector<16xi1>
                %masked_sort3A_660, %masked_sort3A_661, %masked_sort3A_662 = tpu.sort %add3A_529, %add3A_649 masked %masked_sort3A : (vector<16xf32>, vector<16xi32>, vector<16xi1>) -> (vector<16xi1>, vector<16xf32>, vector<16xi32>)
                %rev3A = arith.constant 15 : i32
                %rev3A_663 = vector.broadcast %rev3A : i32 to vector<16xi32>
                %rev3A_664 = tpu.iota {dimensions = array<i32: 0>} : vector<16xi32>
                %rev3A_665 = arith.subi %rev3A_663, %rev3A_664 : vector<16xi32>
                %rev3A_666 = tpu.dynamic_gather %masked_sort3A_661[%rev3A_665] in [0] : vector<16xf32>, vector<16xi32> -> vector<16xf32>
                %rev3A_667 = arith.constant 15 : i32
                %rev3A_668 = vector.broadcast %rev3A_667 : i32 to vector<16xi32>
                %rev3A_669 = tpu.iota {dimensions = array<i32: 0>} : vector<16xi32>
                %rev3A_670 = arith.subi %rev3A_668, %rev3A_669 : vector<16xi32>
                %rev3A_671 = tpu.dynamic_gather %masked_sort3A_662[%rev3A_670] in [0] : vector<16xi32>, vector<16xi32> -> vector<16xi32>
                %lt3A_672 = arith.cmpf olt, %cond3A_643#0, %rev3A_666 : vector<16xf32>
                %eq3A_673 = arith.cmpf oeq, %cond3A_643#0, %rev3A_666 : vector<16xf32>
                %lt3A_674 = arith.cmpi slt, %cond3A_643#1, %rev3A_671 : vector<16xi32>
                %and3A_675 = arith.andi %eq3A_673, %lt3A_674 : vector<16xi1>
                %or3A_676 = arith.ori %lt3A_672, %and3A_675 : vector<16xi1>
                %select_n3A_677 = arith.select %or3A_676, %cond3A_643#0, %rev3A_666 : vector<16xi1>, vector<16xf32>
                %select_n3A_678 = arith.select %or3A_676, %cond3A_643#1, %rev3A_671 : vector<16xi1>, vector<16xi32>
                %masked_sort3A_679 = arith.constant dense<true> : vector<16xi1>
                %masked_sort3A_680, %masked_sort3A_681, %masked_sort3A_682 = tpu.sort %select_n3A_677, %select_n3A_678 masked %masked_sort3A_679 : (vector<16xf32>, vector<16xi32>, vector<16xi1>) -> (vector<16xi1>, vector<16xf32>, vector<16xi32>)
                %lt3A_683 = arith.constant 0 : i32
                %lt3A_684 = vector.broadcast %lt3A_683 : i32 to vector<16xi32>
                %lt3A_685 = arith.cmpi slt, %broadcast_in_dim3A_38, %lt3A_684 : vector<16xi32>
                %add3A_686 = arith.constant 16 : i32
                %add3A_687 = vector.broadcast %add3A_686 : i32 to vector<16xi32>
                %add3A_688 = arith.addi %broadcast_in_dim3A_38, %add3A_687 : vector<16xi32>
                %select_n3A_689 = arith.select %lt3A_685, %add3A_688, %broadcast_in_dim3A_38 : vector<16xi1>, vector<16xi32>
                %broadcast_in_dim3A_690 = vector.shape_cast %select_n3A_689 : vector<16xi32> to vector<16x1xi32>
                %gather3A_691 = vector.shape_cast %broadcast_in_dim3A_690 : vector<16x1xi32> to vector<16xi32>
                %gather3A_692 = tpu.dynamic_gather %masked_sort3A_681[%gather3A_691] in [0] : vector<16xf32>, vector<16xi32> -> vector<16xf32>
                scf.yield %masked_sort3A_681, %masked_sort3A_682, %gather3A_692 : vector<16xf32>, vector<16xi32>, vector<16xf32>
              } else {
                scf.yield %cond3A_643#0, %cond3A_643#1, %cond3A_643#2 : vector<16xf32>, vector<16xi32>, vector<16xf32>
              }
              scf.yield %cond3A_659#0, %cond3A_659#1, %cond3A_659#2 : vector<16xf32>, vector<16xi32>, vector<16xf32>
            } else {
              scf.yield %scan3A_326, %scan3A_327, %scan3A_328 : vector<16xf32>, vector<16xi32>, vector<16xf32>
            }
            %all_reduce_population_count3A_587 = tpu.all_reduce %lt3A_555 {dim = 0 : i64, kind = #tpu.reduction_kind<sum>} : vector<16xi1> -> vector<16xi32>
            %slice3A_588 = vector.extract_strided_slice %all_reduce_population_count3A_587 {offsets = [0], sizes = [1], strides = [1]} : vector<16xi32> to vector<1xi32>
            %squeeze3A_589 = vector.extract %slice3A_588[0] : i32 from vector<1xi32>
            %gt3A_590 = arith.constant 0 : i32
            %gt3A_591 = arith.cmpi sgt, %squeeze3A_589, %gt3A_590 : i32
            %convert_element_type3A_592 = arith.extui %gt3A_591 : i1 to i32
            %cond3A_593 = arith.constant 0 : i32
            %cond3A_594 = arith.cmpi ne, %convert_element_type3A_592, %cond3A_593 : i32
            %cond3A_595:3 = scf.if %cond3A_594 -> (vector<16xf32>, vector<16xi32>, vector<16xf32>) {
              %mul3A_596 = arith.constant 64 : i32
              %mul3A_597 = arith.muli %scan3A_319, %mul3A_596 : i32
              %add3A_598 = arith.constant 0 : i32
              %add3A_599 = arith.addi %mul3A_597, %add3A_598 : i32
              %add3A_600 = vector.broadcast %add3A_599 : i32 to vector<16xi32>
              %add3A_601 = arith.addi %iota3A, %add3A_600 : vector<16xi32>
              %lt3A_602 = arith.cmpf olt, %add3A_383, %scan3A_331 : vector<16xf32>
              %all_reduce_population_count3A_603 = tpu.all_reduce %lt3A_602 {dim = 0 : i64, kind = #tpu.reduction_kind<sum>} : vector<16xi1> -> vector<16xi32>
              %slice3A_604 = vector.extract_strided_slice %all_reduce_population_count3A_603 {offsets = [0], sizes = [1], strides = [1]} : vector<16xi32> to vector<1xi32>
              %squeeze3A_605 = vector.extract %slice3A_604[0] : i32 from vector<1xi32>
              %gt3A_606 = arith.constant 0 : i32
              %gt3A_607 = arith.cmpi sgt, %squeeze3A_605, %gt3A_606 : i32
              %convert_element_type3A_608 = arith.extui %gt3A_607 : i1 to i32
              %cond3A_609 = arith.constant 0 : i32
              %cond3A_610 = arith.cmpi ne, %convert_element_type3A_608, %cond3A_609 : i32
              %cond3A_611:3 = scf.if %cond3A_610 -> (vector<16xf32>, vector<16xi32>, vector<16xf32>) {
                %masked_sort3A = arith.constant dense<true> : vector<16xi1>
                %masked_sort3A_660, %masked_sort3A_661, %masked_sort3A_662 = tpu.sort %add3A_383, %add3A_601 masked %masked_sort3A : (vector<16xf32>, vector<16xi32>, vector<16xi1>) -> (vector<16xi1>, vector<16xf32>, vector<16xi32>)
                %rev3A = arith.constant 15 : i32
                %rev3A_663 = vector.broadcast %rev3A : i32 to vector<16xi32>
                %rev3A_664 = tpu.iota {dimensions = array<i32: 0>} : vector<16xi32>
                %rev3A_665 = arith.subi %rev3A_663, %rev3A_664 : vector<16xi32>
                %rev3A_666 = tpu.dynamic_gather %masked_sort3A_661[%rev3A_665] in [0] : vector<16xf32>, vector<16xi32> -> vector<16xf32>
                %rev3A_667 = arith.constant 15 : i32
                %rev3A_668 = vector.broadcast %rev3A_667 : i32 to vector<16xi32>
                %rev3A_669 = tpu.iota {dimensions = array<i32: 0>} : vector<16xi32>
                %rev3A_670 = arith.subi %rev3A_668, %rev3A_669 : vector<16xi32>
                %rev3A_671 = tpu.dynamic_gather %masked_sort3A_662[%rev3A_670] in [0] : vector<16xi32>, vector<16xi32> -> vector<16xi32>
                %lt3A_672 = arith.cmpf olt, %scan3A_329, %rev3A_666 : vector<16xf32>
                %eq3A_673 = arith.cmpf oeq, %scan3A_329, %rev3A_666 : vector<16xf32>
                %lt3A_674 = arith.cmpi slt, %scan3A_330, %rev3A_671 : vector<16xi32>
                %and3A_675 = arith.andi %eq3A_673, %lt3A_674 : vector<16xi1>
                %or3A_676 = arith.ori %lt3A_672, %and3A_675 : vector<16xi1>
                %select_n3A_677 = arith.select %or3A_676, %scan3A_329, %rev3A_666 : vector<16xi1>, vector<16xf32>
                %select_n3A_678 = arith.select %or3A_676, %scan3A_330, %rev3A_671 : vector<16xi1>, vector<16xi32>
                %masked_sort3A_679 = arith.constant dense<true> : vector<16xi1>
                %masked_sort3A_680, %masked_sort3A_681, %masked_sort3A_682 = tpu.sort %select_n3A_677, %select_n3A_678 masked %masked_sort3A_679 : (vector<16xf32>, vector<16xi32>, vector<16xi1>) -> (vector<16xi1>, vector<16xf32>, vector<16xi32>)
                %lt3A_683 = arith.constant 0 : i32
                %lt3A_684 = vector.broadcast %lt3A_683 : i32 to vector<16xi32>
                %lt3A_685 = arith.cmpi slt, %broadcast_in_dim3A_38, %lt3A_684 : vector<16xi32>
                %add3A_686 = arith.constant 16 : i32
                %add3A_687 = vector.broadcast %add3A_686 : i32 to vector<16xi32>
                %add3A_688 = arith.addi %broadcast_in_dim3A_38, %add3A_687 : vector<16xi32>
                %select_n3A_689 = arith.select %lt3A_685, %add3A_688, %broadcast_in_dim3A_38 : vector<16xi1>, vector<16xi32>
                %broadcast_in_dim3A_690 = vector.shape_cast %select_n3A_689 : vector<16xi32> to vector<16x1xi32>
                %gather3A_691 = vector.shape_cast %broadcast_in_dim3A_690 : vector<16x1xi32> to vector<16xi32>
                %gather3A_692 = tpu.dynamic_gather %masked_sort3A_681[%gather3A_691] in [0] : vector<16xf32>, vector<16xi32> -> vector<16xf32>
                scf.yield %masked_sort3A_681, %masked_sort3A_682, %gather3A_692 : vector<16xf32>, vector<16xi32>, vector<16xf32>
              } else {
                scf.yield %scan3A_329, %scan3A_330, %scan3A_331 : vector<16xf32>, vector<16xi32>, vector<16xf32>
              }
              %mul3A_612 = arith.constant 64 : i32
              %mul3A_613 = arith.muli %scan3A_319, %mul3A_612 : i32
              %add3A_614 = arith.constant 16 : i32
              %add3A_615 = arith.addi %mul3A_613, %add3A_614 : i32
              %add3A_616 = vector.broadcast %add3A_615 : i32 to vector<16xi32>
              %add3A_617 = arith.addi %iota3A, %add3A_616 : vector<16xi32>
              %lt3A_618 = arith.cmpf olt, %add3A_435, %cond3A_611#2 : vector<16xf32>
              %all_reduce_population_count3A_619 = tpu.all_reduce %lt3A_618 {dim = 0 : i64, kind = #tpu.reduction_kind<sum>} : vector<16xi1> -> vector<16xi32>
              %slice3A_620 = vector.extract_strided_slice %all_reduce_population_count3A_619 {offsets = [0], sizes = [1], strides = [1]} : vector<16xi32> to vector<1xi32>
              %squeeze3A_621 = vector.extract %slice3A_620[0] : i32 from vector<1xi32>
              %gt3A_622 = arith.constant 0 : i32
              %gt3A_623 = arith.cmpi sgt, %squeeze3A_621, %gt3A_622 : i32
              %convert_element_type3A_624 = arith.extui %gt3A_623 : i1 to i32
              %cond3A_625 = arith.constant 0 : i32
              %cond3A_626 = arith.cmpi ne, %convert_element_type3A_624, %cond3A_625 : i32
              %cond3A_627:3 = scf.if %cond3A_626 -> (vector<16xf32>, vector<16xi32>, vector<16xf32>) {
                %masked_sort3A = arith.constant dense<true> : vector<16xi1>
                %masked_sort3A_660, %masked_sort3A_661, %masked_sort3A_662 = tpu.sort %add3A_435, %add3A_617 masked %masked_sort3A : (vector<16xf32>, vector<16xi32>, vector<16xi1>) -> (vector<16xi1>, vector<16xf32>, vector<16xi32>)
                %rev3A = arith.constant 15 : i32
                %rev3A_663 = vector.broadcast %rev3A : i32 to vector<16xi32>
                %rev3A_664 = tpu.iota {dimensions = array<i32: 0>} : vector<16xi32>
                %rev3A_665 = arith.subi %rev3A_663, %rev3A_664 : vector<16xi32>
                %rev3A_666 = tpu.dynamic_gather %masked_sort3A_661[%rev3A_665] in [0] : vector<16xf32>, vector<16xi32> -> vector<16xf32>
                %rev3A_667 = arith.constant 15 : i32
                %rev3A_668 = vector.broadcast %rev3A_667 : i32 to vector<16xi32>
                %rev3A_669 = tpu.iota {dimensions = array<i32: 0>} : vector<16xi32>
                %rev3A_670 = arith.subi %rev3A_668, %rev3A_669 : vector<16xi32>
                %rev3A_671 = tpu.dynamic_gather %masked_sort3A_662[%rev3A_670] in [0] : vector<16xi32>, vector<16xi32> -> vector<16xi32>
                %lt3A_672 = arith.cmpf olt, %cond3A_611#0, %rev3A_666 : vector<16xf32>
                %eq3A_673 = arith.cmpf oeq, %cond3A_611#0, %rev3A_666 : vector<16xf32>
                %lt3A_674 = arith.cmpi slt, %cond3A_611#1, %rev3A_671 : vector<16xi32>
                %and3A_675 = arith.andi %eq3A_673, %lt3A_674 : vector<16xi1>
                %or3A_676 = arith.ori %lt3A_672, %and3A_675 : vector<16xi1>
                %select_n3A_677 = arith.select %or3A_676, %cond3A_611#0, %rev3A_666 : vector<16xi1>, vector<16xf32>
                %select_n3A_678 = arith.select %or3A_676, %cond3A_611#1, %rev3A_671 : vector<16xi1>, vector<16xi32>
                %masked_sort3A_679 = arith.constant dense<true> : vector<16xi1>
                %masked_sort3A_680, %masked_sort3A_681, %masked_sort3A_682 = tpu.sort %select_n3A_677, %select_n3A_678 masked %masked_sort3A_679 : (vector<16xf32>, vector<16xi32>, vector<16xi1>) -> (vector<16xi1>, vector<16xf32>, vector<16xi32>)
                %lt3A_683 = arith.constant 0 : i32
                %lt3A_684 = vector.broadcast %lt3A_683 : i32 to vector<16xi32>
                %lt3A_685 = arith.cmpi slt, %broadcast_in_dim3A_38, %lt3A_684 : vector<16xi32>
                %add3A_686 = arith.constant 16 : i32
                %add3A_687 = vector.broadcast %add3A_686 : i32 to vector<16xi32>
                %add3A_688 = arith.addi %broadcast_in_dim3A_38, %add3A_687 : vector<16xi32>
                %select_n3A_689 = arith.select %lt3A_685, %add3A_688, %broadcast_in_dim3A_38 : vector<16xi1>, vector<16xi32>
                %broadcast_in_dim3A_690 = vector.shape_cast %select_n3A_689 : vector<16xi32> to vector<16x1xi32>
                %gather3A_691 = vector.shape_cast %broadcast_in_dim3A_690 : vector<16x1xi32> to vector<16xi32>
                %gather3A_692 = tpu.dynamic_gather %masked_sort3A_681[%gather3A_691] in [0] : vector<16xf32>, vector<16xi32> -> vector<16xf32>
                scf.yield %masked_sort3A_681, %masked_sort3A_682, %gather3A_692 : vector<16xf32>, vector<16xi32>, vector<16xf32>
              } else {
                scf.yield %cond3A_611#0, %cond3A_611#1, %cond3A_611#2 : vector<16xf32>, vector<16xi32>, vector<16xf32>
              }
              %mul3A_628 = arith.constant 64 : i32
              %mul3A_629 = arith.muli %scan3A_319, %mul3A_628 : i32
              %add3A_630 = arith.constant 32 : i32
              %add3A_631 = arith.addi %mul3A_629, %add3A_630 : i32
              %add3A_632 = vector.broadcast %add3A_631 : i32 to vector<16xi32>
              %add3A_633 = arith.addi %iota3A, %add3A_632 : vector<16xi32>
              %lt3A_634 = arith.cmpf olt, %add3A_487, %cond3A_627#2 : vector<16xf32>
              %all_reduce_population_count3A_635 = tpu.all_reduce %lt3A_634 {dim = 0 : i64, kind = #tpu.reduction_kind<sum>} : vector<16xi1> -> vector<16xi32>
              %slice3A_636 = vector.extract_strided_slice %all_reduce_population_count3A_635 {offsets = [0], sizes = [1], strides = [1]} : vector<16xi32> to vector<1xi32>
              %squeeze3A_637 = vector.extract %slice3A_636[0] : i32 from vector<1xi32>
              %gt3A_638 = arith.constant 0 : i32
              %gt3A_639 = arith.cmpi sgt, %squeeze3A_637, %gt3A_638 : i32
              %convert_element_type3A_640 = arith.extui %gt3A_639 : i1 to i32
              %cond3A_641 = arith.constant 0 : i32
              %cond3A_642 = arith.cmpi ne, %convert_element_type3A_640, %cond3A_641 : i32
              %cond3A_643:3 = scf.if %cond3A_642 -> (vector<16xf32>, vector<16xi32>, vector<16xf32>) {
                %masked_sort3A = arith.constant dense<true> : vector<16xi1>
                %masked_sort3A_660, %masked_sort3A_661, %masked_sort3A_662 = tpu.sort %add3A_487, %add3A_633 masked %masked_sort3A : (vector<16xf32>, vector<16xi32>, vector<16xi1>) -> (vector<16xi1>, vector<16xf32>, vector<16xi32>)
                %rev3A = arith.constant 15 : i32
                %rev3A_663 = vector.broadcast %rev3A : i32 to vector<16xi32>
                %rev3A_664 = tpu.iota {dimensions = array<i32: 0>} : vector<16xi32>
                %rev3A_665 = arith.subi %rev3A_663, %rev3A_664 : vector<16xi32>
                %rev3A_666 = tpu.dynamic_gather %masked_sort3A_661[%rev3A_665] in [0] : vector<16xf32>, vector<16xi32> -> vector<16xf32>
                %rev3A_667 = arith.constant 15 : i32
                %rev3A_668 = vector.broadcast %rev3A_667 : i32 to vector<16xi32>
                %rev3A_669 = tpu.iota {dimensions = array<i32: 0>} : vector<16xi32>
                %rev3A_670 = arith.subi %rev3A_668, %rev3A_669 : vector<16xi32>
                %rev3A_671 = tpu.dynamic_gather %masked_sort3A_662[%rev3A_670] in [0] : vector<16xi32>, vector<16xi32> -> vector<16xi32>
                %lt3A_672 = arith.cmpf olt, %cond3A_627#0, %rev3A_666 : vector<16xf32>
                %eq3A_673 = arith.cmpf oeq, %cond3A_627#0, %rev3A_666 : vector<16xf32>
                %lt3A_674 = arith.cmpi slt, %cond3A_627#1, %rev3A_671 : vector<16xi32>
                %and3A_675 = arith.andi %eq3A_673, %lt3A_674 : vector<16xi1>
                %or3A_676 = arith.ori %lt3A_672, %and3A_675 : vector<16xi1>
                %select_n3A_677 = arith.select %or3A_676, %cond3A_627#0, %rev3A_666 : vector<16xi1>, vector<16xf32>
                %select_n3A_678 = arith.select %or3A_676, %cond3A_627#1, %rev3A_671 : vector<16xi1>, vector<16xi32>
                %masked_sort3A_679 = arith.constant dense<true> : vector<16xi1>
                %masked_sort3A_680, %masked_sort3A_681, %masked_sort3A_682 = tpu.sort %select_n3A_677, %select_n3A_678 masked %masked_sort3A_679 : (vector<16xf32>, vector<16xi32>, vector<16xi1>) -> (vector<16xi1>, vector<16xf32>, vector<16xi32>)
                %lt3A_683 = arith.constant 0 : i32
                %lt3A_684 = vector.broadcast %lt3A_683 : i32 to vector<16xi32>
                %lt3A_685 = arith.cmpi slt, %broadcast_in_dim3A_38, %lt3A_684 : vector<16xi32>
                %add3A_686 = arith.constant 16 : i32
                %add3A_687 = vector.broadcast %add3A_686 : i32 to vector<16xi32>
                %add3A_688 = arith.addi %broadcast_in_dim3A_38, %add3A_687 : vector<16xi32>
                %select_n3A_689 = arith.select %lt3A_685, %add3A_688, %broadcast_in_dim3A_38 : vector<16xi1>, vector<16xi32>
                %broadcast_in_dim3A_690 = vector.shape_cast %select_n3A_689 : vector<16xi32> to vector<16x1xi32>
                %gather3A_691 = vector.shape_cast %broadcast_in_dim3A_690 : vector<16x1xi32> to vector<16xi32>
                %gather3A_692 = tpu.dynamic_gather %masked_sort3A_681[%gather3A_691] in [0] : vector<16xf32>, vector<16xi32> -> vector<16xf32>
                scf.yield %masked_sort3A_681, %masked_sort3A_682, %gather3A_692 : vector<16xf32>, vector<16xi32>, vector<16xf32>
              } else {
                scf.yield %cond3A_627#0, %cond3A_627#1, %cond3A_627#2 : vector<16xf32>, vector<16xi32>, vector<16xf32>
              }
              %mul3A_644 = arith.constant 64 : i32
              %mul3A_645 = arith.muli %scan3A_319, %mul3A_644 : i32
              %add3A_646 = arith.constant 48 : i32
              %add3A_647 = arith.addi %mul3A_645, %add3A_646 : i32
              %add3A_648 = vector.broadcast %add3A_647 : i32 to vector<16xi32>
              %add3A_649 = arith.addi %iota3A, %add3A_648 : vector<16xi32>
              %lt3A_650 = arith.cmpf olt, %add3A_539, %cond3A_643#2 : vector<16xf32>
              %all_reduce_population_count3A_651 = tpu.all_reduce %lt3A_650 {dim = 0 : i64, kind = #tpu.reduction_kind<sum>} : vector<16xi1> -> vector<16xi32>
              %slice3A_652 = vector.extract_strided_slice %all_reduce_population_count3A_651 {offsets = [0], sizes = [1], strides = [1]} : vector<16xi32> to vector<1xi32>
              %squeeze3A_653 = vector.extract %slice3A_652[0] : i32 from vector<1xi32>
              %gt3A_654 = arith.constant 0 : i32
              %gt3A_655 = arith.cmpi sgt, %squeeze3A_653, %gt3A_654 : i32
              %convert_element_type3A_656 = arith.extui %gt3A_655 : i1 to i32
              %cond3A_657 = arith.constant 0 : i32
              %cond3A_658 = arith.cmpi ne, %convert_element_type3A_656, %cond3A_657 : i32
              %cond3A_659:3 = scf.if %cond3A_658 -> (vector<16xf32>, vector<16xi32>, vector<16xf32>) {
                %masked_sort3A = arith.constant dense<true> : vector<16xi1>
                %masked_sort3A_660, %masked_sort3A_661, %masked_sort3A_662 = tpu.sort %add3A_539, %add3A_649 masked %masked_sort3A : (vector<16xf32>, vector<16xi32>, vector<16xi1>) -> (vector<16xi1>, vector<16xf32>, vector<16xi32>)
                %rev3A = arith.constant 15 : i32
                %rev3A_663 = vector.broadcast %rev3A : i32 to vector<16xi32>
                %rev3A_664 = tpu.iota {dimensions = array<i32: 0>} : vector<16xi32>
                %rev3A_665 = arith.subi %rev3A_663, %rev3A_664 : vector<16xi32>
                %rev3A_666 = tpu.dynamic_gather %masked_sort3A_661[%rev3A_665] in [0] : vector<16xf32>, vector<16xi32> -> vector<16xf32>
                %rev3A_667 = arith.constant 15 : i32
                %rev3A_668 = vector.broadcast %rev3A_667 : i32 to vector<16xi32>
                %rev3A_669 = tpu.iota {dimensions = array<i32: 0>} : vector<16xi32>
                %rev3A_670 = arith.subi %rev3A_668, %rev3A_669 : vector<16xi32>
                %rev3A_671 = tpu.dynamic_gather %masked_sort3A_662[%rev3A_670] in [0] : vector<16xi32>, vector<16xi32> -> vector<16xi32>
                %lt3A_672 = arith.cmpf olt, %cond3A_643#0, %rev3A_666 : vector<16xf32>
                %eq3A_673 = arith.cmpf oeq, %cond3A_643#0, %rev3A_666 : vector<16xf32>
                %lt3A_674 = arith.cmpi slt, %cond3A_643#1, %rev3A_671 : vector<16xi32>
                %and3A_675 = arith.andi %eq3A_673, %lt3A_674 : vector<16xi1>
                %or3A_676 = arith.ori %lt3A_672, %and3A_675 : vector<16xi1>
                %select_n3A_677 = arith.select %or3A_676, %cond3A_643#0, %rev3A_666 : vector<16xi1>, vector<16xf32>
                %select_n3A_678 = arith.select %or3A_676, %cond3A_643#1, %rev3A_671 : vector<16xi1>, vector<16xi32>
                %masked_sort3A_679 = arith.constant dense<true> : vector<16xi1>
                %masked_sort3A_680, %masked_sort3A_681, %masked_sort3A_682 = tpu.sort %select_n3A_677, %select_n3A_678 masked %masked_sort3A_679 : (vector<16xf32>, vector<16xi32>, vector<16xi1>) -> (vector<16xi1>, vector<16xf32>, vector<16xi32>)
                %lt3A_683 = arith.constant 0 : i32
                %lt3A_684 = vector.broadcast %lt3A_683 : i32 to vector<16xi32>
                %lt3A_685 = arith.cmpi slt, %broadcast_in_dim3A_38, %lt3A_684 : vector<16xi32>
                %add3A_686 = arith.constant 16 : i32
                %add3A_687 = vector.broadcast %add3A_686 : i32 to vector<16xi32>
                %add3A_688 = arith.addi %broadcast_in_dim3A_38, %add3A_687 : vector<16xi32>
                %select_n3A_689 = arith.select %lt3A_685, %add3A_688, %broadcast_in_dim3A_38 : vector<16xi1>, vector<16xi32>
                %broadcast_in_dim3A_690 = vector.shape_cast %select_n3A_689 : vector<16xi32> to vector<16x1xi32>
                %gather3A_691 = vector.shape_cast %broadcast_in_dim3A_690 : vector<16x1xi32> to vector<16xi32>
                %gather3A_692 = tpu.dynamic_gather %masked_sort3A_681[%gather3A_691] in [0] : vector<16xf32>, vector<16xi32> -> vector<16xf32>
                scf.yield %masked_sort3A_681, %masked_sort3A_682, %gather3A_692 : vector<16xf32>, vector<16xi32>, vector<16xf32>
              } else {
                scf.yield %cond3A_643#0, %cond3A_643#1, %cond3A_643#2 : vector<16xf32>, vector<16xi32>, vector<16xf32>
              }
              scf.yield %cond3A_659#0, %cond3A_659#1, %cond3A_659#2 : vector<16xf32>, vector<16xi32>, vector<16xf32>
            } else {
              scf.yield %scan3A_329, %scan3A_330, %scan3A_331 : vector<16xf32>, vector<16xi32>, vector<16xf32>
            }
            scf.yield %cond3A_568#0, %cond3A_568#1, %cond3A_568#2, %cond3A_577#0, %cond3A_577#1, %cond3A_577#2, %cond3A_586#0, %cond3A_586#1, %cond3A_586#2, %cond3A_595#0, %cond3A_595#1, %cond3A_595#2 : vector<16xf32>, vector<16xi32>, vector<16xf32>, vector<16xf32>, vector<16xi32>, vector<16xf32>, vector<16xf32>, vector<16xi32>, vector<16xf32>, vector<16xf32>, vector<16xi32>, vector<16xf32>
          } else {
            scf.yield %scan3A_320, %scan3A_321, %scan3A_322, %scan3A_323, %scan3A_324, %scan3A_325, %scan3A_326, %scan3A_327, %scan3A_328, %scan3A_329, %scan3A_330, %scan3A_331 : vector<16xf32>, vector<16xi32>, vector<16xf32>, vector<16xf32>, vector<16xi32>, vector<16xf32>, vector<16xf32>, vector<16xi32>, vector<16xf32>, vector<16xf32>, vector<16xi32>, vector<16xf32>
          }
          scf.yield %cond3A_559#0, %cond3A_559#1, %cond3A_559#2, %cond3A_559#3, %cond3A_559#4, %cond3A_559#5, %cond3A_559#6, %cond3A_559#7, %cond3A_559#8, %cond3A_559#9, %cond3A_559#10, %cond3A_559#11 : vector<16xf32>, vector<16xi32>, vector<16xf32>, vector<16xf32>, vector<16xi32>, vector<16xf32>, vector<16xf32>, vector<16xi32>, vector<16xf32>, vector<16xf32>, vector<16xi32>, vector<16xf32>
        }
        %scan3A_275 = arith.constant 32 : i32
        %mul3A_276 = arith.constant 16 : i32
        %mul3A_277 = arith.muli %scan3A_49, %mul3A_276 : i32
        %mul3A_278 = arith.constant 4 : i32
        %mul3A_279 = arith.muli %scan3A_66, %mul3A_278 : i32
        %add3A_280 = arith.addi %mul3A_277, %mul3A_279 : i32
        %add3A_281 = arith.constant 0 : i32
        %add3A_282 = arith.addi %add3A_280, %add3A_281 : i32
        %mul3A_283 = arith.constant 16 : i32
        %mul3A_284 = arith.muli %add3A_282, %mul3A_283 : i32
        %swap3A = arith.index_cast %mul3A_284 : i32 to index
        %swap3A_285 = tpu.vector_load %arg13[%swap3A] {strides = array<i32>} : memref<1024xi32, #tpu.memory_space<vmem>>, vector<16xi32>,
        tpu.vector_store %arg13[%swap3A], %scan3A_274#1 {strides = array<i32>} : memref<1024xi32, #tpu.memory_space<vmem>>, vector<16xi32>,
        %mul3A_286 = arith.constant 16 : i32
        %mul3A_287 = arith.muli %scan3A_49, %mul3A_286 : i32
        %mul3A_288 = arith.constant 4 : i32
        %mul3A_289 = arith.muli %scan3A_66, %mul3A_288 : i32
        %add3A_290 = arith.addi %mul3A_287, %mul3A_289 : i32
        %add3A_291 = arith.constant 1 : i32
        %add3A_292 = arith.addi %add3A_290, %add3A_291 : i32
        %mul3A_293 = arith.constant 16 : i32
        %mul3A_294 = arith.muli %add3A_292, %mul3A_293 : i32
        %swap3A_295 = arith.index_cast %mul3A_294 : i32 to index
        %swap3A_296 = tpu.vector_load %arg13[%swap3A_295] {strides = array<i32>} : memref<1024xi32, #tpu.memory_space<vmem>>, vector<16xi32>,
        tpu.vector_store %arg13[%swap3A_295], %scan3A_274#4 {strides = array<i32>} : memref<1024xi32, #tpu.memory_space<vmem>>, vector<16xi32>,
        %mul3A_297 = arith.constant 16 : i32
        %mul3A_298 = arith.muli %scan3A_49, %mul3A_297 : i32
        %mul3A_299 = arith.constant 4 : i32
        %mul3A_300 = arith.muli %scan3A_66, %mul3A_299 : i32
        %add3A_301 = arith.addi %mul3A_298, %mul3A_300 : i32
        %add3A_302 = arith.constant 2 : i32
        %add3A_303 = arith.addi %add3A_301, %add3A_302 : i32
        %mul3A_304 = arith.constant 16 : i32
        %mul3A_305 = arith.muli %add3A_303, %mul3A_304 : i32
        %swap3A_306 = arith.index_cast %mul3A_305 : i32 to index
        %swap3A_307 = tpu.vector_load %arg13[%swap3A_306] {strides = array<i32>} : memref<1024xi32, #tpu.memory_space<vmem>>, vector<16xi32>,
        tpu.vector_store %arg13[%swap3A_306], %scan3A_274#7 {strides = array<i32>} : memref<1024xi32, #tpu.memory_space<vmem>>, vector<16xi32>,
        %mul3A_308 = arith.constant 16 : i32
        %mul3A_309 = arith.muli %scan3A_49, %mul3A_308 : i32
        %mul3A_310 = arith.constant 4 : i32
        %mul3A_311 = arith.muli %scan3A_66, %mul3A_310 : i32
        %add3A_312 = arith.addi %mul3A_309, %mul3A_311 : i32
        %add3A_313 = arith.constant 3 : i32
        %add3A_314 = arith.addi %add3A_312, %add3A_313 : i32
        %mul3A_315 = arith.constant 16 : i32
        %mul3A_316 = arith.muli %add3A_314, %mul3A_315 : i32
        %swap3A_317 = arith.index_cast %mul3A_316 : i32 to index
        %swap3A_318 = tpu.vector_load %arg13[%swap3A_317] {strides = array<i32>} : memref<1024xi32, #tpu.memory_space<vmem>>, vector<16xi32>,
        tpu.vector_store %arg13[%swap3A_317], %scan3A_274#10 {strides = array<i32>} : memref<1024xi32, #tpu.memory_space<vmem>>, vector<16xi32>,
      }
      %scan3A_65 = arith.constant 4 : i32
    }
    %scan3A_44 = arith.constant 4 : i32
    %mul3A_45 = arith.constant 64 : i32
    %mul3A_46 = arith.muli %add3A, %mul3A_45 : i32
    %mul3A_47 = arith.constant 16 : i32
    %mul3A_48 = arith.muli %mul3A_46, %mul3A_47 : i32
    "tpu.region"() ({
      %run_scoped3A = tpu.sem_alloc : memref<!tpu.dma_semaphore, #tpu.memory_space<semaphore_mem>>
      %dma_start3A = tpu.memref_slice %arg5[%mul3A_48] : memref<32768xi32, #tpu.memory_space<hbm>> -> memref<1024xi32, #tpu.memory_space<hbm>>
      %dma_start3A_49 = tpu.memref_slice %arg5[%mul3A_48] : memref<32768xi32, #tpu.memory_space<hbm>> -> memref<1024xi32, #tpu.memory_space<hbm>>
      tpu.enqueue_dma source(%arg13 : memref<1024xi32, #tpu.memory_space<vmem>>) target(%dma_start3A_49 : memref<1024xi32, #tpu.memory_space<hbm>>) target_semaphore(%run_scoped3A : memref<!tpu.dma_semaphore, #tpu.memory_space<semaphore_mem>>)
      %dma_wait3A = tpu.memref_slice %arg5[%mul3A_48] : memref<32768xi32, #tpu.memory_space<hbm>> -> memref<1024xi32, #tpu.memory_space<hbm>>
      %dma_wait3A_50 = tpu.memref_slice %arg5[%mul3A_48] : memref<32768xi32, #tpu.memory_space<hbm>> -> memref<1024xi32, #tpu.memory_space<hbm>>
      tpu.wait_dma2 semaphore(%run_scoped3A : memref<!tpu.dma_semaphore, #tpu.memory_space<semaphore_mem>>) src(%arg13 : memref<1024xi32, #tpu.memory_space<vmem>>) dst(%dma_wait3A_50 : memref<1024xi32, #tpu.memory_space<hbm>>)
      tpu.yield
    }) : () -> ()
    return
  }
}

module attributes {stable_mosaic.version = 14 : i64} {
  func.func @_knn_tc_body(%arg0: i32, %arg1: i32, %arg2: memref<1x512x3xf32, #tpu.memory_space<vmem>>, %arg3: memref<1x3x2048xf32, #tpu.memory_space<vmem>>, %arg4: memref<1x512x16xi32, #tpu.memory_space<vmem>>) attributes {dimension_semantics = [#tpu.dimension_semantics<arbitrary>, #tpu.dimension_semantics<arbitrary>], iteration_bounds = array<i64: 7, 4>, scalar_prefetch = 0 : i64, scratch_operands = 0 : i64, tpu.core_type = #tpu.core_type<tc>, window_params = [{transform_indices = @transform_0, window_bounds = array<i64: 1, 512, 3>}, {transform_indices = @transform_1, window_bounds = array<i64: 1, 3, 2048>}, {transform_indices = @transform_2, window_bounds = array<i64: 1, 512, 16>}]} {
    %get3A = arith.constant 0 : index
    %get3A_0 = arith.constant 0 : index
    %get3A_1 = arith.constant 0 : index
    %get3A_2 = vector.load %arg2[%get3A, %get3A_0, %get3A_1] : memref<1x512x3xf32, #tpu.memory_space<vmem>>, vector<1x512x3xf32>
    %get3A_3 = vector.shape_cast %get3A_2 : vector<1x512x3xf32> to vector<512x3xf32>
    %get3A_4 = arith.constant 0 : index
    %get3A_5 = arith.constant 0 : index
    %get3A_6 = arith.constant 0 : index
    %get3A_7 = vector.load %arg3[%get3A_4, %get3A_5, %get3A_6] : memref<1x3x2048xf32, #tpu.memory_space<vmem>>, vector<1x3x2048xf32>
    %get3A_8 = vector.shape_cast %get3A_7 : vector<1x3x2048xf32> to vector<3x2048xf32>
    %mul3A = arith.mulf %get3A_3, %get3A_3 : vector<512x3xf32>
    %reduce_sum3A = arith.constant dense<0.000000e+00> : vector<512xf32>
    %reduce_sum3A_9 = vector.multi_reduction <add>, %mul3A, %reduce_sum3A [1] : vector<512x3xf32> to vector<512xf32>
    %broadcast_in_dim3A = vector.shape_cast %reduce_sum3A_9 : vector<512xf32> to vector<512x1xf32>
    %mul3A_10 = arith.mulf %get3A_8, %get3A_8 : vector<3x2048xf32>
    %reduce_sum3A_11 = arith.constant dense<0.000000e+00> : vector<2048xf32>
    %reduce_sum3A_12 = vector.multi_reduction <add>, %mul3A_10, %reduce_sum3A_11 [0] : vector<3x2048xf32> to vector<2048xf32>
    %broadcast_in_dim3A_13 = vector.shape_cast %reduce_sum3A_12 : vector<2048xf32> to vector<1x2048xf32>
    %dot_general3A = arith.constant dense<0.000000e+00> : vector<512x2048xf32>
    %dot_general3A_14 = tpu.matmul %get3A_3, %get3A_8, %dot_general3A {dimension_numbers = #tpu.dot_dimension_numbers<[1], [0], [0], [1], [0, 0, 1, 1], [], []>, transpose_lhs_hint = false} : vector<512x3xf32>, vector<3x2048xf32>, vector<512x2048xf32> -> vector<512x2048xf32>
    %mul3A_15 = arith.constant -2.000000e+00 : f32
    %mul3A_16 = vector.broadcast %mul3A_15 : f32 to vector<512x2048xf32>
    %mul3A_17 = arith.mulf %mul3A_16, %dot_general3A_14 : vector<512x2048xf32>
    %add3A = vector.broadcast %broadcast_in_dim3A : vector<512x1xf32> to vector<512x2048xf32>
    %add3A_18 = arith.addf %add3A, %mul3A_17 : vector<512x2048xf32>
    %add3A_19 = vector.broadcast %broadcast_in_dim3A_13 : vector<1x2048xf32> to vector<512x2048xf32>
    %add3A_20 = arith.addf %add3A_18, %add3A_19 : vector<512x2048xf32>
    %iota3A = tpu.iota {dimensions = array<i32: 1>} : vector<512x2048xi32>
    %argmin3A = tpu.reduce_index %add3A_20 {axis = 1 : i32, kind = #tpu.reduction_kind<arg_min>} : vector<512x2048xf32> -> vector<512xi32>
    %broadcast_in_dim3A_21 = vector.shape_cast %argmin3A : vector<512xi32> to vector<512x1xi32>
    %eq3A = vector.broadcast %broadcast_in_dim3A_21 : vector<512x1xi32> to vector<512x2048xi32>
    %eq3A_22 = arith.cmpi eq, %iota3A, %eq3A : vector<512x2048xi32>
    %jit3A = arith.constant 3.000000e+38 : f32
    %broadcast_in_dim3A_23 = vector.broadcast %jit3A : f32 to vector<512x2048xf32>
    %select_n3A = arith.select %eq3A_22, %broadcast_in_dim3A_23, %add3A_20 : vector<512x2048xi1>, vector<512x2048xf32>
    %argmin3A_24 = tpu.reduce_index %select_n3A {axis = 1 : i32, kind = #tpu.reduction_kind<arg_min>} : vector<512x2048xf32> -> vector<512xi32>
    %broadcast_in_dim3A_25 = vector.shape_cast %argmin3A_24 : vector<512xi32> to vector<512x1xi32>
    %eq3A_26 = vector.broadcast %broadcast_in_dim3A_25 : vector<512x1xi32> to vector<512x2048xi32>
    %eq3A_27 = arith.cmpi eq, %iota3A, %eq3A_26 : vector<512x2048xi32>
    %jit3A_28 = arith.constant 3.000000e+38 : f32
    %broadcast_in_dim3A_29 = vector.broadcast %jit3A_28 : f32 to vector<512x2048xf32>
    %select_n3A_30 = arith.select %eq3A_27, %broadcast_in_dim3A_29, %select_n3A : vector<512x2048xi1>, vector<512x2048xf32>
    %argmin3A_31 = tpu.reduce_index %select_n3A_30 {axis = 1 : i32, kind = #tpu.reduction_kind<arg_min>} : vector<512x2048xf32> -> vector<512xi32>
    %broadcast_in_dim3A_32 = vector.shape_cast %argmin3A_31 : vector<512xi32> to vector<512x1xi32>
    %eq3A_33 = vector.broadcast %broadcast_in_dim3A_32 : vector<512x1xi32> to vector<512x2048xi32>
    %eq3A_34 = arith.cmpi eq, %iota3A, %eq3A_33 : vector<512x2048xi32>
    %jit3A_35 = arith.constant 3.000000e+38 : f32
    %broadcast_in_dim3A_36 = vector.broadcast %jit3A_35 : f32 to vector<512x2048xf32>
    %select_n3A_37 = arith.select %eq3A_34, %broadcast_in_dim3A_36, %select_n3A_30 : vector<512x2048xi1>, vector<512x2048xf32>
    %argmin3A_38 = tpu.reduce_index %select_n3A_37 {axis = 1 : i32, kind = #tpu.reduction_kind<arg_min>} : vector<512x2048xf32> -> vector<512xi32>
    %broadcast_in_dim3A_39 = vector.shape_cast %argmin3A_38 : vector<512xi32> to vector<512x1xi32>
    %eq3A_40 = vector.broadcast %broadcast_in_dim3A_39 : vector<512x1xi32> to vector<512x2048xi32>
    %eq3A_41 = arith.cmpi eq, %iota3A, %eq3A_40 : vector<512x2048xi32>
    %jit3A_42 = arith.constant 3.000000e+38 : f32
    %broadcast_in_dim3A_43 = vector.broadcast %jit3A_42 : f32 to vector<512x2048xf32>
    %select_n3A_44 = arith.select %eq3A_41, %broadcast_in_dim3A_43, %select_n3A_37 : vector<512x2048xi1>, vector<512x2048xf32>
    %argmin3A_45 = tpu.reduce_index %select_n3A_44 {axis = 1 : i32, kind = #tpu.reduction_kind<arg_min>} : vector<512x2048xf32> -> vector<512xi32>
    %broadcast_in_dim3A_46 = vector.shape_cast %argmin3A_45 : vector<512xi32> to vector<512x1xi32>
    %eq3A_47 = vector.broadcast %broadcast_in_dim3A_46 : vector<512x1xi32> to vector<512x2048xi32>
    %eq3A_48 = arith.cmpi eq, %iota3A, %eq3A_47 : vector<512x2048xi32>
    %jit3A_49 = arith.constant 3.000000e+38 : f32
    %broadcast_in_dim3A_50 = vector.broadcast %jit3A_49 : f32 to vector<512x2048xf32>
    %select_n3A_51 = arith.select %eq3A_48, %broadcast_in_dim3A_50, %select_n3A_44 : vector<512x2048xi1>, vector<512x2048xf32>
    %argmin3A_52 = tpu.reduce_index %select_n3A_51 {axis = 1 : i32, kind = #tpu.reduction_kind<arg_min>} : vector<512x2048xf32> -> vector<512xi32>
    %broadcast_in_dim3A_53 = vector.shape_cast %argmin3A_52 : vector<512xi32> to vector<512x1xi32>
    %eq3A_54 = vector.broadcast %broadcast_in_dim3A_53 : vector<512x1xi32> to vector<512x2048xi32>
    %eq3A_55 = arith.cmpi eq, %iota3A, %eq3A_54 : vector<512x2048xi32>
    %jit3A_56 = arith.constant 3.000000e+38 : f32
    %broadcast_in_dim3A_57 = vector.broadcast %jit3A_56 : f32 to vector<512x2048xf32>
    %select_n3A_58 = arith.select %eq3A_55, %broadcast_in_dim3A_57, %select_n3A_51 : vector<512x2048xi1>, vector<512x2048xf32>
    %argmin3A_59 = tpu.reduce_index %select_n3A_58 {axis = 1 : i32, kind = #tpu.reduction_kind<arg_min>} : vector<512x2048xf32> -> vector<512xi32>
    %broadcast_in_dim3A_60 = vector.shape_cast %argmin3A_59 : vector<512xi32> to vector<512x1xi32>
    %eq3A_61 = vector.broadcast %broadcast_in_dim3A_60 : vector<512x1xi32> to vector<512x2048xi32>
    %eq3A_62 = arith.cmpi eq, %iota3A, %eq3A_61 : vector<512x2048xi32>
    %jit3A_63 = arith.constant 3.000000e+38 : f32
    %broadcast_in_dim3A_64 = vector.broadcast %jit3A_63 : f32 to vector<512x2048xf32>
    %select_n3A_65 = arith.select %eq3A_62, %broadcast_in_dim3A_64, %select_n3A_58 : vector<512x2048xi1>, vector<512x2048xf32>
    %argmin3A_66 = tpu.reduce_index %select_n3A_65 {axis = 1 : i32, kind = #tpu.reduction_kind<arg_min>} : vector<512x2048xf32> -> vector<512xi32>
    %broadcast_in_dim3A_67 = vector.shape_cast %argmin3A_66 : vector<512xi32> to vector<512x1xi32>
    %eq3A_68 = vector.broadcast %broadcast_in_dim3A_67 : vector<512x1xi32> to vector<512x2048xi32>
    %eq3A_69 = arith.cmpi eq, %iota3A, %eq3A_68 : vector<512x2048xi32>
    %jit3A_70 = arith.constant 3.000000e+38 : f32
    %broadcast_in_dim3A_71 = vector.broadcast %jit3A_70 : f32 to vector<512x2048xf32>
    %select_n3A_72 = arith.select %eq3A_69, %broadcast_in_dim3A_71, %select_n3A_65 : vector<512x2048xi1>, vector<512x2048xf32>
    %argmin3A_73 = tpu.reduce_index %select_n3A_72 {axis = 1 : i32, kind = #tpu.reduction_kind<arg_min>} : vector<512x2048xf32> -> vector<512xi32>
    %broadcast_in_dim3A_74 = vector.shape_cast %argmin3A_73 : vector<512xi32> to vector<512x1xi32>
    %eq3A_75 = vector.broadcast %broadcast_in_dim3A_74 : vector<512x1xi32> to vector<512x2048xi32>
    %eq3A_76 = arith.cmpi eq, %iota3A, %eq3A_75 : vector<512x2048xi32>
    %jit3A_77 = arith.constant 3.000000e+38 : f32
    %broadcast_in_dim3A_78 = vector.broadcast %jit3A_77 : f32 to vector<512x2048xf32>
    %select_n3A_79 = arith.select %eq3A_76, %broadcast_in_dim3A_78, %select_n3A_72 : vector<512x2048xi1>, vector<512x2048xf32>
    %argmin3A_80 = tpu.reduce_index %select_n3A_79 {axis = 1 : i32, kind = #tpu.reduction_kind<arg_min>} : vector<512x2048xf32> -> vector<512xi32>
    %broadcast_in_dim3A_81 = vector.shape_cast %argmin3A_80 : vector<512xi32> to vector<512x1xi32>
    %eq3A_82 = vector.broadcast %broadcast_in_dim3A_81 : vector<512x1xi32> to vector<512x2048xi32>
    %eq3A_83 = arith.cmpi eq, %iota3A, %eq3A_82 : vector<512x2048xi32>
    %jit3A_84 = arith.constant 3.000000e+38 : f32
    %broadcast_in_dim3A_85 = vector.broadcast %jit3A_84 : f32 to vector<512x2048xf32>
    %select_n3A_86 = arith.select %eq3A_83, %broadcast_in_dim3A_85, %select_n3A_79 : vector<512x2048xi1>, vector<512x2048xf32>
    %argmin3A_87 = tpu.reduce_index %select_n3A_86 {axis = 1 : i32, kind = #tpu.reduction_kind<arg_min>} : vector<512x2048xf32> -> vector<512xi32>
    %broadcast_in_dim3A_88 = vector.shape_cast %argmin3A_87 : vector<512xi32> to vector<512x1xi32>
    %eq3A_89 = vector.broadcast %broadcast_in_dim3A_88 : vector<512x1xi32> to vector<512x2048xi32>
    %eq3A_90 = arith.cmpi eq, %iota3A, %eq3A_89 : vector<512x2048xi32>
    %jit3A_91 = arith.constant 3.000000e+38 : f32
    %broadcast_in_dim3A_92 = vector.broadcast %jit3A_91 : f32 to vector<512x2048xf32>
    %select_n3A_93 = arith.select %eq3A_90, %broadcast_in_dim3A_92, %select_n3A_86 : vector<512x2048xi1>, vector<512x2048xf32>
    %argmin3A_94 = tpu.reduce_index %select_n3A_93 {axis = 1 : i32, kind = #tpu.reduction_kind<arg_min>} : vector<512x2048xf32> -> vector<512xi32>
    %broadcast_in_dim3A_95 = vector.shape_cast %argmin3A_94 : vector<512xi32> to vector<512x1xi32>
    %eq3A_96 = vector.broadcast %broadcast_in_dim3A_95 : vector<512x1xi32> to vector<512x2048xi32>
    %eq3A_97 = arith.cmpi eq, %iota3A, %eq3A_96 : vector<512x2048xi32>
    %jit3A_98 = arith.constant 3.000000e+38 : f32
    %broadcast_in_dim3A_99 = vector.broadcast %jit3A_98 : f32 to vector<512x2048xf32>
    %select_n3A_100 = arith.select %eq3A_97, %broadcast_in_dim3A_99, %select_n3A_93 : vector<512x2048xi1>, vector<512x2048xf32>
    %argmin3A_101 = tpu.reduce_index %select_n3A_100 {axis = 1 : i32, kind = #tpu.reduction_kind<arg_min>} : vector<512x2048xf32> -> vector<512xi32>
    %broadcast_in_dim3A_102 = vector.shape_cast %argmin3A_101 : vector<512xi32> to vector<512x1xi32>
    %eq3A_103 = vector.broadcast %broadcast_in_dim3A_102 : vector<512x1xi32> to vector<512x2048xi32>
    %eq3A_104 = arith.cmpi eq, %iota3A, %eq3A_103 : vector<512x2048xi32>
    %jit3A_105 = arith.constant 3.000000e+38 : f32
    %broadcast_in_dim3A_106 = vector.broadcast %jit3A_105 : f32 to vector<512x2048xf32>
    %select_n3A_107 = arith.select %eq3A_104, %broadcast_in_dim3A_106, %select_n3A_100 : vector<512x2048xi1>, vector<512x2048xf32>
    %argmin3A_108 = tpu.reduce_index %select_n3A_107 {axis = 1 : i32, kind = #tpu.reduction_kind<arg_min>} : vector<512x2048xf32> -> vector<512xi32>
    %broadcast_in_dim3A_109 = vector.shape_cast %argmin3A_108 : vector<512xi32> to vector<512x1xi32>
    %eq3A_110 = vector.broadcast %broadcast_in_dim3A_109 : vector<512x1xi32> to vector<512x2048xi32>
    %eq3A_111 = arith.cmpi eq, %iota3A, %eq3A_110 : vector<512x2048xi32>
    %jit3A_112 = arith.constant 3.000000e+38 : f32
    %broadcast_in_dim3A_113 = vector.broadcast %jit3A_112 : f32 to vector<512x2048xf32>
    %select_n3A_114 = arith.select %eq3A_111, %broadcast_in_dim3A_113, %select_n3A_107 : vector<512x2048xi1>, vector<512x2048xf32>
    %argmin3A_115 = tpu.reduce_index %select_n3A_114 {axis = 1 : i32, kind = #tpu.reduction_kind<arg_min>} : vector<512x2048xf32> -> vector<512xi32>
    %broadcast_in_dim3A_116 = vector.shape_cast %argmin3A_115 : vector<512xi32> to vector<512x1xi32>
    %eq3A_117 = vector.broadcast %broadcast_in_dim3A_116 : vector<512x1xi32> to vector<512x2048xi32>
    %eq3A_118 = arith.cmpi eq, %iota3A, %eq3A_117 : vector<512x2048xi32>
    %jit3A_119 = arith.constant 3.000000e+38 : f32
    %broadcast_in_dim3A_120 = vector.broadcast %jit3A_119 : f32 to vector<512x2048xf32>
    %select_n3A_121 = arith.select %eq3A_118, %broadcast_in_dim3A_120, %select_n3A_114 : vector<512x2048xi1>, vector<512x2048xf32>
    %argmin3A_122 = tpu.reduce_index %select_n3A_121 {axis = 1 : i32, kind = #tpu.reduction_kind<arg_min>} : vector<512x2048xf32> -> vector<512xi32>
    %broadcast_in_dim3A_123 = vector.shape_cast %argmin3A_122 : vector<512xi32> to vector<512x1xi32>
    %concatenate3A = tpu.concatenate %broadcast_in_dim3A_21, %broadcast_in_dim3A_25, %broadcast_in_dim3A_32, %broadcast_in_dim3A_39, %broadcast_in_dim3A_46, %broadcast_in_dim3A_53, %broadcast_in_dim3A_60, %broadcast_in_dim3A_67, %broadcast_in_dim3A_74, %broadcast_in_dim3A_81, %broadcast_in_dim3A_88, %broadcast_in_dim3A_95, %broadcast_in_dim3A_102, %broadcast_in_dim3A_109, %broadcast_in_dim3A_116, %broadcast_in_dim3A_123 in 1 : vector<512x1xi32>, vector<512x1xi32>, vector<512x1xi32>, vector<512x1xi32>, vector<512x1xi32>, vector<512x1xi32>, vector<512x1xi32>, vector<512x1xi32>, vector<512x1xi32>, vector<512x1xi32>, vector<512x1xi32>, vector<512x1xi32>, vector<512x1xi32>, vector<512x1xi32>, vector<512x1xi32>, vector<512x1xi32> -> vector<512x16xi32>
    %swap3A = arith.constant 0 : index
    %swap3A_124 = arith.constant 0 : index
    %swap3A_125 = arith.constant 0 : index
    %swap3A_126 = vector.load %arg4[%swap3A, %swap3A_124, %swap3A_125] : memref<1x512x16xi32, #tpu.memory_space<vmem>>, vector<1x512x16xi32>
    %swap3A_127 = vector.shape_cast %swap3A_126 : vector<1x512x16xi32> to vector<512x16xi32>
    %swap3A_128 = vector.shape_cast %concatenate3A : vector<512x16xi32> to vector<1x512x16xi32>
    tpu.vector_store %arg4[%swap3A, %swap3A_124, %swap3A_125], %swap3A_128 {strides = array<i32>} : memref<1x512x16xi32, #tpu.memory_space<vmem>>, vector<1x512x16xi32>,
    return
  }
  func.func @transform_0(%arg0: i32, %arg1: i32) -> (i32, i32, i32) {
    %c0_i32 = arith.constant 0 : i32
    %c0_i32_0 = arith.constant 0 : i32
    return %arg0, %arg1, %c0_i32 : i32, i32, i32
  }
  func.func @transform_1(%arg0: i32, %arg1: i32) -> (i32, i32, i32) {
    %c0_i32 = arith.constant 0 : i32
    %c0_i32_0 = arith.constant 0 : i32
    %c0_i32_1 = arith.constant 0 : i32
    return %arg0, %c0_i32, %c0_i32_0 : i32, i32, i32
  }
  func.func @transform_2(%arg0: i32, %arg1: i32) -> (i32, i32, i32) {
    %c0_i32 = arith.constant 0 : i32
    %c0_i32_0 = arith.constant 0 : i32
    return %arg0, %arg1, %c0_i32 : i32, i32, i32
  }
}

</mosaic_0001>

<sc_bundles>
// kernel: kernel.4.cloned.1.call-start
scs
__scs_entry_jumppad:
0x0: {  	(pc) =	sbr.rel $0x88, $3  }
0x1: {  	(tag) =	ssettag $0x0;
	lr =	simm.s32 $0x1  }
0x2: {  	[smem:$0x3FA0] =	sst lr;
	_ =	strace $0xD0000000  }
0x3: {  	_ = 	snop  }
0x4: {  	_ = 	snop  }
0x5: {  	_ = 	snop  }
0x6: {  	_ = 	snop  }
0x7: {  	_ = 	snop  }
__scs_overlays_trampoline_lowered:
0x8: {  	[smem:$0x3FAF] =	sst s0  }
0x9: {  	[smem:$0x3FB0] =	sst s1  }
0xa: {  	[smem:$0x3FB1] =	sst s2  }
0xb: {  	[smem:$0x3FB2] =	sst s3  }
0xc: {  	[smem:$0x3FB3] =	sst s4  }
0xd: {  	[smem:$0x3FB4] =	sst s5  }
0xe: {  	[smem:$0x3FB5] =	sst s6  }
0xf: {  	[smem:$0x3FB6] =	sst s7  }
0x10: {  	[smem:$0x3FB7] =	sst s8  }
0x11: {  	[smem:$0x3FB8] =	sst s9;
	s0 =	simm.s32 @!p0 $0x0  }
0x12: {  	s1 =	sld [smem:$0x3F9E];
	s0 =	simm.s32 @p0 $0x1  }
0x13: {  	[smem:$0x3FB9] =	sst s0;
	s0 =	simm.s32 @!p1 $0x0  }
0x14: {  	s2 =	sld [smem:$0x3F9D];
	s0 =	simm.s32 @p1 $0x1  }
0x15: {  	[smem:$0x3FBA] =	sst s0;
	s0 =	simm.s32 @!p2 $0x0  }
0x16: {  	s3 =	sld [smem:$0x3FDB];
	s0 =	simm.s32 @p2 $0x1  }
0x17: {  	s4 =	simm.s32 $0x1BF5;
	[smem:$0x3FBC] =	sst s0  }
0x18: {  	s0 =	sld [smem:$0x3F9F];
	_ =	swait.ge [sflag:s4], $0x0  }
0x19: {  	s7 =	sld [smem:$0x3FA0]  }
0x1a: {  	s8 =	sadd.s32 $0xFFFFE003, lr  }
0x1b: {  	s9 =	sadd.s32 $0xFFFFFEF7, lr;
	s5 =	simm.s32 $0xFFFFFFFF;
	p2 =	slt.u32 s8, $0xFFFFF086  }
0x1c: {  	p1 =	slt.u32 s9, $0xF7A;
	s5 =	simm.s32 @!p2 $0x0  }
0x1d: {  	s5 =	simm.s32 @p1 $0x1;
	p0 =	seq.s32 s7, s2  }
0x1e: {  	s7 =	smul.u32 @!p0 $0xF7A, s2;
	p2 =	seq.s32 @!p0 s5, $0x0  }
0x1f: {  	s9 =	smul.u32 $0xF7A, s1;
	s8 =	simm.s32 @!p0 $0x1BF5;
	p2 =	por !p2, p0  }
0x20: {  	[sflag:s8] =	ssyncset.s32 @!p0 $0xFFFFF086;
	s6 =	sadd.s32 @!p0 s3, s7;
	s7 =	simm.s32 @!p0 $0x108  }
0x21: {  	s3 =	sadd.s32 s3, s9;
	s6 =	sadd.s32 @!p0 $0x88, s6;
	s7 =	simm.s32 @p2 $0x1082  }
0x22: {  	[simem:s7], [sflag:s8] =	dma.local @!p0 [hbm:s6], $0xF7A  }
0x23: {  	s9 =	sor.u32 $0xD0000000, s2;
	s6 =	simm.s32 $0x108;
	_ =	swait.ge @!p0 [sflag:s8], $0x0  }
0x24: {  	s3 =	sadd.s32 $0x88, s3;
	s6 =	simm.s32 @!p1 $0x1082;
	[sflag:s4] =	ssyncset.s32 $0xFFFFF086  }
0x25: {  	[simem:s6], [sflag:s4] =	dma.local [hbm:s3], $0xF7A  }
0x26: {  	[smem:$0x3FA0] =	sst s1;
	(tag) =	ssettag s2;
	_ =	strace s9  }
0x27: {  	s1 =	sld [smem:$0x3FB0]  }
0x28: {  	s2 =	sld [smem:$0x3FB1]  }
0x29: {  	s4 =	sld [smem:$0x3FB3]  }
0x2a: {  	p0 =	seq.s32 s5, $0x0;
	s5 =	sld [smem:$0x3FB4]  }
0x2b: {  	s6 =	sld [smem:$0x3FB5]  }
0x2c: {  	s7 =	sld [smem:$0x3FB6]  }
0x2d: {  	s3 =	simm.s32 $0x108;
	s8 =	sld [smem:$0x3FB7]  }
0x2e: {  	s3 =	simm.s32 @!p0 $0x1082;
	s9 =	sld [smem:$0x3FB8]  }
0x2f: {  	lr =	sadd.s32 s0, s3;
	s0 =	sld [smem:$0x3FAF]  }
0x30: {  	s3 =	sld [smem:$0x3FB2]  }
0x31: {  	[smem:$0x3FBB] =	sst s10  }
0x32: {  	s10 =	sld [smem:$0x3FB9];
	_ =	sdelay $0x3  }
0x33: {  	p0 =	seq.s32 s10, $0x1;
	s10 =	sld [smem:$0x3FBB];
	_ =	sdelay $0x3  }
0x34: {  	[smem:$0x3FBB] =	sst s10  }
0x35: {  	s10 =	sld [smem:$0x3FBA];
	_ =	sdelay $0x3  }
0x36: {  	p1 =	seq.s32 s10, $0x1;
	s10 =	sld [smem:$0x3FBB];
	_ =	sdelay $0x3  }
0x37: {  	[smem:$0x3FBB] =	sst s10  }
0x38: {  	s10 =	sld [smem:$0x3FBC]  }
0x39: {  	_ = 	snop;
	(pc) =	sbr.ind lr, $3  }
0x3a: {  	_ = 	snop  }
0x3b: {  	_ = 	snop  }
0x3c: {  	p2 =	seq.s32 s10, $0x1;
	s10 =	sld [smem:$0x3FBB]  }
0x3d: {  	_ =	shalt  }
0x3e: {  	_ =	shalt  }
0x3f: {  	_ =	shalt  }
0x40: {  	_ =	shalt  }
0x41: {  	_ =	shalt  }
0x42: {  	_ =	shalt  }
0x43: {  	_ =	shalt  }
0x44: {  	_ =	shalt  }
0x45: {  	_ =	shalt  }
0x46: {  	_ =	shalt  }
0x47: {  	_ =	shalt  }
0x48: {  	_ =	shalt  }
0x49: {  	_ =	shalt  }
0x4a: {  	_ =	shalt  }
0x4b: {  	_ =	shalt  }
0x4c: {  	_ =	shalt  }
0x4d: {  	_ =	shalt  }
0x4e: {  	_ =	shalt  }
0x4f: {  	_ =	shalt  }
0x50: {  	_ =	shalt  }
0x51: {  	_ =	shalt  }
0x52: {  	_ =	shalt  }
0x53: {  	_ =	shalt  }
0x54: {  	_ =	shalt  }
0x55: {  	_ =	shalt  }
0x56: {  	_ =	shalt  }
0x57: {  	_ =	shalt  }
0x58: {  	_ =	shalt  }
0x59: {  	_ =	shalt  }
0x5a: {  	_ =	shalt  }
0x5b: {  	_ =	shalt  }
0x5c: {  	_ =	shalt  }
0x5d: {  	_ =	shalt  }
0x5e: {  	_ =	shalt  }
0x5f: {  	_ =	shalt  }
0x60: {  	_ =	shalt  }
0x61: {  	_ =	shalt  }
0x62: {  	_ =	shalt  }
0x63: {  	_ =	shalt  }
0x64: {  	_ =	shalt  }
0x65: {  	_ =	shalt  }
0x66: {  	_ =	shalt  }
0x67: {  	_ =	shalt  }
0x68: {  	_ =	shalt  }
0x69: {  	_ =	shalt  }
0x6a: {  	_ =	shalt  }
0x6b: {  	_ =	shalt  }
0x6c: {  	_ =	shalt  }
0x6d: {  	_ =	shalt  }
0x6e: {  	_ =	shalt  }
0x6f: {  	_ =	shalt  }
0x70: {  	_ =	shalt  }
0x71: {  	_ =	shalt  }
0x72: {  	_ =	shalt  }
0x73: {  	_ =	shalt  }
0x74: {  	_ =	shalt  }
0x75: {  	_ =	shalt  }
0x76: {  	_ =	shalt  }
0x77: {  	_ =	shalt  }
0x78: {  	_ =	shalt  }
0x79: {  	_ =	shalt  }
0x7a: {  	_ =	shalt  }
0x7b: {  	_ =	shalt  }
0x7c: {  	_ =	shalt  }
0x7d: {  	_ =	shalt  }
0x7e: {  	_ =	shalt  }
0x7f: {  	_ =	shalt  }
0x80: {  	_ =	shalt  }
0x81: {  	_ =	shalt  }
0x82: {  	_ =	shalt  }
0x83: {  	_ =	shalt  }
0x84: {  	_ =	shalt  }
0x85: {  	_ =	shalt  }
0x86: {  	_ =	shalt  }
0x87: {  	_ =	shalt  }
.Lfunc_end0:
.L_simem_size_0:
called_computation_lowered:
.L_overlay_start_0:
0x88: {  	s2 =	sld [smem:$0x3FD9]  }
0x89: {  	s3 =	sld [smem:$0x3FFE];
	_ =	sdelay $0x1  }
0x8a: {  	s1 =	srdreg.scid  }
0x8b: {  	s0 =	sand.u32 $0x1, s1  }
0x8c: {  	s17 =	sshll.u32 s0, $0xA;
	s2 =	sadd.s32 s3, s2  }
0x8d: {  	s2 =	sadd.s32 s2, s17  }
0x8e: {  	[smem:$0x3FC7] =	sst s2  }
0x8f: {  	_ = 	snop  }
0x90: {  	s2 =	sld [smem:$0x3FD0];
	(tm) =	ssettm $0x1  }
0x91: {  	s18 =	sld [smem:$0x3FFB];
	_ =	sdelay $0x3  }
0x92: {  	_ =	strace s18  }
0x93: {  	s3 =	sld [smem:$0x3FFC];
	_ =	sdelay $0x3  }
0x94: {  	_ =	strace s3  }
0x95: {  	s3 =	sld [smem:$0x3FFD];
	_ =	sdelay $0x3  }
0x96: {  	_ =	strace s3  }
0x97: {  	_ =	strace $0x8FFFFFFF  }
0x98: {  	s19 =	sld [smem:$0x3FDB];
	_ =	sdelay $0x1  }
0x99: {  	s4 =	simm.s32 $_scs_section_size  }
0x9a: {  	s5 =	simm.s32 $_size__tile_overlayer_lowered;
	s6 =	simm.s32 $_tile_overlayer_lowered  }
0x9b: {  	s22 =	simm.s32 $0x1BFF;
	s21 =	sshll.u32 s6, $0x1;
	s3 =	sadd.s32 s4, s19  }
0x9c: {  	s7 =	simm.s32 $0x0;
	s20 =	sshll.u32 s5, $0x1;
	s5 =	sadd.s32 s21, s3  }
0x9d: {  	[timem:s7], [sflag:s22] =	dma.local [hbm:s5], s20  }
0x9e: {  	_ =	swait.ge [sflag:s22], s20  }
0x9f: {  	s4 =	ssub.s32 $0x0, s20;
	[sflag:s22] =	ssyncset.done $0x0  }
0xa0: {  	[sflag:s22] =	ssyncadd.s32 s4;
	_ =	sdelay $0x1  }
0xa1: {  	s23 =	simm.s32 $0x1B8B  }
0xa2: {  	_ =	swait.ge [sflag:s23], $0x1  }
0xa3: {  	[sflag:s23] =	ssyncset.done $0x0  }
0xa4: {  	s25 =	simm.s32 $0x1B8E;
	s24 =	sld [smem:$0x3FFE];
	[sflag:s23] =	ssyncadd.s32 $0xFFFFFFFF  }
0xa5: {  	s26 =	simm.s32 $execute0_lowered;
	[smem:$0x3FD2] =	sst s25  }
0xa6: {  	s5 =	sshll.u32 s26, $0x1;
	_ =	strace $0x80000046;
	[dreg:$0x1] =	wrdreg $0xFFFFFFFF  }
0xa7: {  	s28 =	simm.s32 $_size_execute0_lowered;
	s3 =	sadd.s32 s3, s5;
	[dreg:$0x0] =	wrdreg $0x0  }
0xa8: {  	s5 =	sshll.u32 s28, $0x1;
	[dreg:$0x2] =	wrdreg s3  }
0xa9: {  	[dreg:$0x3] =	wrdreg s5  }
0xaa: {  	[dreg:$0x4] =	wrdreg $0xC0  }
0xab: {  	_ =	task [dreg:s7], $0x5FFFF  }
0xac: {  	[dreg:$0x1] =	wrdreg $0xFFFFFFFF  }
0xad: {  	[dreg:$0x0] =	wrdreg $0x60  }
0xae: {  	[dreg:$0x2] =	wrdreg s24  }
0xaf: {  	[dreg:$0x3] =	wrdreg s2  }
0xb0: {  	[dreg:$0x4] =	wrdreg $0x9  }
0xb1: {  	_ =	task.clear_ibuf [dreg:s7], $0x5FFFF;
	_ =	strace $0x90000046  }
0xb2: {  	s29 =	simm.s32 $0x9;
	_ =	strace $0x80000048  }
0xb3: {  	_ =	swait.ge [sflag:s29], $0x1  }
0xb4: {  	[sflag:s29] =	ssyncadd.s32 $0xFFFFFFFF  }
0xb5: {  	_ =	strace $0x90000048  }
0xb6: {  	_ =	sfence  }
0xb7: {  	s30 =	sld [smem:$0x0];
	_ =	sdelay $0x2  }
0xb8: {  	s31 =	sshll.u32 s1, $0xD;
	s1 =	sshrl.u32 s1, $0x2  }
0xb9: {  	s3 =	sand.u32 $0x4000, s31;
	s1 =	sadd.s32 s1, s30  }
0xba: {  	s0 =	sor.u32 s3, s0;
	s1 =	sshll.u32 s1, $0x11  }
0xbb: {  	s0 =	sor.u32 s1, s0  }
0xbc: {  	s0 =	sadd.s32 $0x8F2B, s0  }
0xbd: {  	[sflag:s0] =	ssyncadd.remote.s32 $0x1  }
0xbe: {  	_ =	sfence.sel $0xFFFF  }
0xbf: {  	[dreg:$0x0] =	wrdreg $0xFFFFFFFF;
	(pc) =	sbr.abs _section_cstart, $3  }
0xc0: {  	[dreg:$0x1] =	wrdreg $0xFFFFFFFF  }
0xc1: {  	_ =	task.clear_ibuf [dreg:s7], $0x2FFFF;
	_ =	strace $0x9FFFFFFF  }
0xc2: {  	(tm) =	ssettm $0x7FFFFFFF  }
0xc3: {  	_ =	shalt  }
tec
execute0_lowered:
.L_overlay_start_1:
0x0: {  	(tag) =	ssettag $0x1  }
0x1: {  	s5 =	rddreg [dreg:$0x0]  }
0x2: {  	s6 =	rddreg [dreg:$0x1]  }
0x3: {  	s0 =	rddreg [dreg:$0x2]  }
0x4: {  	s2 =	simm.s32 $0x0;
	s4 =	srdreg.scid;
	s1 =	stileid.u32  }
0x5: {  	s11 =	simm.s32 $0x3800;
	[smem:$0x7FF] =	sst s2;
	s3 =	sadd.s32 $0xA00, s5  }
0x6: {  	s7 =	sand.u32 $0x1, s4;
	s8 =	sshll.u32 s1, $0x1;
	s4 =	sadd.s32 $0x800, s5  }
.Ltmp0:
0x7: {  	s5 =	sadd.s32 $0x600, s5;
	s9 =	ssub.s32 $0x2, s7;
	(pc) =	sbr.rel .LBB2_1-.Ltmp0, $4  }
0x8: {  	_ =	strace $0x80000047;
	s7 =	sor.u32 s7, s8;
	s31 =	sshrl.u32 s9, $0x1  }
0x9: {  	s10 =	sshll.u32 s7, $0x7;
	s12 =	sshll.u32 s7, $0x6;
	s8 =	ssub.s32 s9, s31  }
0xa: {  	s6 =	sadd.s32 s6, s10;
	s9 =	simm.s32 $0x800;
	s10 =	simm.s32 $0x1000  }
0xb: {  	v0 =	vmov s12;
	s12 =	simm.s32 $0x0;
	s7 =	smax.u32 s8, $0x1;
	s8 =	simm.s32 $0x1  }
.LBB2_18:
0xc: {  	s12 =	sadd.s32 $0x1, s12  }
0xd: {  	p0 =	sne.s32 s12, s7  }
.Ltmp1:
0xe: {  	_ = 	snop;
	(pc) =	sbr.rel @!p0 .LBB2_19-.Ltmp1, $4  }
0xf: {  	[hbm4b:s6+s2] =	stream.linear.scatter [tilespmem:s11], [sflag:$0x1], $0x400, $0x38;
	[tilespmem:$0x3C00] =	vst v63  }
0x10: {  	_ =	swait.ge [sflag:s8], $0x400  }
0x11: {  	[sflag:s8] =	ssyncset.done $0x0  }
0x12: {  	[sflag:s8] =	ssyncadd.s32 $0xFFFFFC00  }
.LBB2_1:
0x13: {  	[tilespmem:s2], [sflag:$0x1] =	stream.linear.gather [hbm4b:s3+s2], $0x800, $0x38;
	[tilespmem:$0x3C00] =	vst v63  }
0x14: {  	_ =	swait.ge [sflag:s8], $0x800  }
0x15: {  	[sflag:s8] =	ssyncset.done $0x0  }
0x16: {  	[sflag:s8] =	ssyncadd.s32 $0xFFFFF800  }
0x17: {  	[tilespmem:s9], [sflag:$0x1] =	stream.linear.gather [hbm4b:s4+s2], $0x800, $0x38;
	[tilespmem:$0x3C00] =	vst v63  }
0x18: {  	_ =	swait.ge [sflag:s8], $0x800  }
0x19: {  	[sflag:s8] =	ssyncset.done $0x0  }
0x1a: {  	[sflag:s8] =	ssyncadd.s32 $0xFFFFF800  }
0x1b: {  	[tilespmem:s10], [sflag:$0x1] =	stream.linear.gather [hbm4b:s5+s2], $0x800, $0x38;
	[tilespmem:$0x3C00] =	vst v63  }
0x1c: {  	_ =	swait.ge [sflag:s8], $0x800  }
0x1d: {  	[sflag:s8] =	ssyncset.done $0x0  }
0x1e: {  	s14 =	simm.s32 $0x0;
	[sflag:s8] =	ssyncadd.s32 $0xFFFFF800  }
0x1f: {  	v1 =	vld [tilespmem:s14+$0x0]  }
0x20: {  	v2 =	vld [tilespmem:s14+$0x800]  }
0x21: {  	v5 =	vld [tilespmem:s14+$0x1000];
	_ =	sdelay $0x3  }
0x22: {  	s13 =	simm.s32 $0x10;
	v4 =	vmul.f32 v1, v1;
	v6 =	vmul.f32 v2, v2;
	v7 =	vshrl.u32 v1, $0x10  }
0x23: {  	v3 =	vld [tilespmem:s13+$0x0];
	v8 =	vshrl.u32 v2, $0x10;
	v9 =	vmul.f32 v5, v5;
	v10 =	vshrl.u32 v5, $0x10  }
0x24: {  	v7 =	vand.u32 $0x1, v7;
	v8 =	vand.u32 $0x1, v8;
	v6 =	vadd.f32 v6, v4;
	v4 =	vld [tilespmem:s13+$0x800]  }
0x25: {  	v7 =	vadd.s32 v7, v1;
	v2 =	vadd.s32 v8, v2;
	v8 =	vand.u32 $0x1, v10  }
0x26: {  	v1 =	vld [tilespmem:s13+$0x1000];
	v7 =	vadd.s32 $0x7FFF, v7;
	v5 =	vadd.s32 v8, v5  }
0x27: {  	v2 =	vadd.s32 $0x7FFF, v2;
	v6 =	vadd.f32 v9, v6;
	v7 =	vand.u32 $0xFFFF0000, v7  }
0x28: {  	v8 =	vshrl.u32 v3, $0x10;
	v5 =	vadd.s32 $0x7FFF, v5;
	v10 =	vand.u32 $0xFFFF0000, v2;
	[tilespmem:s14+$0x1800] =	vst v7  }
0x29: {  	s15 =	simm.s32 $0x20;
	[tilespmem:s14+$0x3000] =	vst v6;
	v6 =	vmul.f32 v3, v3;
	v7 =	vshrl.u32 v4, $0x10;
	v9 =	vmul.f32 v4, v4  }
0x2a: {  	s16 =	simm.s32 $0xC0;
	v8 =	vand.u32 $0x1, v8;
	v5 =	vand.u32 $0xFFFF0000, v5;
	v2 =	vld [tilespmem:s15+$0x0];
	[tilespmem:s14+$0x2000] =	vst v10;
	v7 =	vand.u32 $0x1, v7  }
.LBB2_2:
0x2b: {  	p0 =	sne.s32 s16, $0x1FC0;
	v10 =	vld [tilespmem:s15+$0x800];
	v6 =	vadd.f32 v9, v6;
	v9 =	vmul.f32 v1, v1;
	v11 =	vshrl.u32 v1, $0x10;
	[tilespmem:s14+$0x2800] =	vst v5;
	s14 =	smov.u32 s13;
	s13 =	smov.u32 s15  }
0x2c: {  	v3 =	vadd.s32 v8, v3;
	v4 =	vadd.s32 v7, v4;
	v5 =	vand.u32 $0x1, v11  }
.Ltmp2:
0x2d: {  	v12 =	vadd.s32 $0x7FFF, v3;
	v6 =	vadd.f32 v9, v6;
	v5 =	vadd.s32 v5, v1;
	v1 =	vld [tilespmem:s13+$0x1000];
	(pc) =	sbr.rel @p0 .LBB2_2-.Ltmp2, $4  }
0x2e: {  	v7 =	vand.u32 $0xFFFF0000, v12;
	v9 =	vadd.s32 $0x7FFF, v4;
	v13 =	vadd.s32 $0x7FFF, v5  }
0x2f: {  	v11 =	vand.u32 $0xFFFF0000, v9;
	v8 =	vshrl.u32 v2, $0x10;
	[tilespmem:s14+$0x3000] =	vst v6;
	v5 =	vand.u32 $0xFFFF0000, v13;
	v3 =	vmovc v2  }
0x30: {  	s15 =	sshra.s32 s16, $0x2;
	v6 =	vmul.f32 v2, v3;
	v9 =	vmul.f32 v10, v10;
	v12 =	vshrl.u32 v10, $0x10;
	[tilespmem:s14+$0x1800] =	vst v7;
	v4 =	vmovc v10  }
0x31: {  	s16 =	sadd.s32 $0x40, s16;
	v8 =	vand.u32 $0x1, v8;
	v2 =	vld [tilespmem:s15+$0x0];
	v7 =	vand.u32 $0x1, v12;
	[tilespmem:s14+$0x2000] =	vst v11  }
0x32: {  	v10 =	vld [tilespmem:s15+$0x800];
	v6 =	vadd.f32 v9, v6;
	[tilespmem:s14+$0x2800] =	vst v5;
	v54 =	vmul.f32 v1, v1  }
0x33: {  	v55 =	vshrl.u32 v1, $0x10;
	v3 =	vadd.s32 v8, v3;
	v4 =	vadd.s32 v7, v4;
	v56 =	vld [tilespmem:s15+$0x1000]  }
0x34: {  	v57 =	vand.u32 $0x1, v55;
	v3 =	vadd.s32 $0x7FFF, v3;
	v4 =	vadd.s32 $0x7FFF, v4  }
0x35: {  	v5 =	vadd.f32 v54, v6;
	v1 =	vadd.s32 v57, v1;
	v3 =	vand.u32 $0xFFFF0000, v3  }
0x36: {  	v4 =	vand.u32 $0xFFFF0000, v4;
	v1 =	vadd.s32 $0x7FFF, v1;
	v58 =	vmul.f32 v2, v2  }
0x37: {  	v60 =	vshrl.u32 v2, $0x10;
	v1 =	vand.u32 $0xFFFF0000, v1;
	v59 =	vmul.f32 v10, v10  }
0x38: {  	[tilespmem:s13+$0x1800] =	vst v3;
	v61 =	vshrl.u32 v10, $0x10;
	v3 =	vand.u32 $0x1, v60;
	v62 =	vmul.f32 v56, v56  }
0x39: {  	[tilespmem:s13+$0x3000] =	vst v5;
	v5 =	vand.u32 $0x1, v61;
	v2 =	vadd.s32 v3, v2;
	v6 =	vadd.f32 v59, v58  }
0x3a: {  	[tilespmem:s13+$0x2800] =	vst v1;
	v63 =	vshrl.u32 v56, $0x10;
	v1 =	vadd.s32 v5, v10;
	v2 =	vadd.s32 $0x7FFF, v2  }
.Ltmp3:
0x3b: {  	[tilespmem:s13+$0x2000] =	vst v4;
	v4 =	vand.u32 $0x1, v63;
	v2 =	vand.u32 $0xFFFF0000, v2;
	v3 =	vadd.f32 v62, v6;
	(pc) =	sbr.rel .LBB2_4-.Ltmp3, $4  }
0x3c: {  	v4 =	vadd.s32 v4, v56;
	v1 =	vadd.s32 $0x7FFF, v1;
	[tilespmem:s15+$0x1800] =	vst v2  }
0x3d: {  	v1 =	vand.u32 $0xFFFF0000, v1;
	[tilespmem:s15+$0x3000] =	vst v3;
	v3 =	vadd.s32 $0x7FFF, v4  }
0x3e: {  	[tilespmem:s15+$0x2000] =	vst v1;
	v2 =	vand.u32 $0xFFFF0000, v3  }
0x3f: {  	s13 =	simm.s32 $0x0;
	[tilespmem:s15+$0x2800] =	vst v2  }
.LBB2_17:
0x40: {  	s13 =	sadd.s32 $0x1, s13  }
0x41: {  	p0 =	sne.s32 s13, $0x4  }
.Ltmp4:
0x42: {  	_ = 	snop;
	(pc) =	sbr.rel @!p0 .LBB2_18-.Ltmp4, $1  }
0x43: {  	_ =	sdelay $0x3  }
.LBB2_4:
0x44: {  	_ =	sdelay $0x2  }
.Ltmp5:
0x45: {  	s14 =	sshll.u32 s13, $0x4;
	(pc) =	sbr.rel .LBB2_5-.Ltmp5, $4  }
0x46: {  	v1 =	vld.idx.msk [tilespmem:v0+s14+$0x1800 ss:$0x1], $0xffff  }
0x47: {  	v2 =	vld.idx.msk [tilespmem:v0+s14+$0x2000 ss:$0x1], $0xffff  }
0x48: {  	v3 =	vld.idx.msk [tilespmem:v0+s14+$0x2800 ss:$0x1], $0xffff  }
0x49: {  	s15 =	simm.s32 $0x0;
	v4 =	vld.idx.msk [tilespmem:v0+s14+$0x3000 ss:$0x1], $0xffff  }
.LBB2_16:
0x4a: {  	s16 =	sadd.s32 s14, s16;
	s15 =	sadd.s32 $0x1, s15  }
0x4b: {  	s16 =	sshll.u32 s16, $0x4;
	p0 =	sne.s32 s15, $0x4  }
.Ltmp6:
0x4c: {  	s16 =	sand.u32 $0x3FFFFFF0, s16;
	(pc) =	sbr.rel @!p0 .LBB2_17-.Ltmp6, $4  }
0x4d: {  	[tilespmem:s16+$0x3800] =	vst v27  }
0x4e: {  	[tilespmem:s16+$0x3810] =	vst v24  }
0x4f: {  	[tilespmem:s16+$0x3820] =	vst v22  }
0x50: {  	[tilespmem:s16+$0x3830] =	vst v21  }
.LBB2_5:
0x51: {  	v21 =	vimm.s32 $0x800;
	v29 =	vimm.f32 $3.000000010e+38  }
0x52: {  	s16 =	sshll.u32 s15, $0x2;
	v23 =	vimm.f32 $3.000000010e+38;
	v30 =	vimm.f32 $3.000000010e+38;
	v22 =	vimm.s32 $0x800  }
0x53: {  	s31 =	sshllo.u32 s15, $0x2;
	v25 =	vimm.f32 $3.000000010e+38;
	v31 =	vimm.f32 $3.000000010e+38;
	v8 =	vmov s16  }
0x54: {  	s17 =	sor.u32 $0x1, s16;
	v20 =	vmov s31;
	v5 =	vperm.xlane v1, v8;
	v6 =	vperm.xlane v2, v8  }
0x55: {  	v12 =	vmov s17;
	v17 =	vperm.xlane v1, v20;
	v18 =	vperm.xlane v2, v20  }
0x56: {  	v24 =	vimm.s32 $0x800;
	s30 =	sor.u32 $0x2, s16;
	v7 =	vperm.xlane v3, v8;
	v9 =	vperm.xlane v1, v12  }
.Ltmp7:
0x57: {  	v16 =	vmov s30;
	v10 =	vperm.xlane v2, v12;
	v11 =	vperm.xlane v3, v12;
	(pc) =	sbr.rel .LBB2_6-.Ltmp7, $4  }
0x58: {  	v26 =	vimm.f32 $3.000000010e+38;
	v13 =	vperm.xlane v1, v16;
	v14 =	vperm.xlane v2, v16  }
0x59: {  	v32 =	vimm.f32 $3.000000010e+38;
	v15 =	vperm.xlane v3, v16;
	v19 =	vperm.xlane v3, v20  }
0x5a: {  	s18 =	simm.s32 $0x3020;
	s19 =	simm.s32 $0x1820;
	v27 =	vimm.s32 $0x800;
	v8 =	vperm.xlane v4, v8;
	v12 =	vperm.xlane v4, v12  }
0x5b: {  	s20 =	simm.s32 $0x2020;
	s21 =	simm.s32 $0x2820;
	v28 =	vimm.f32 $3.000000010e+38;
	s17 =	simm.s32 $0x30;
	v16 =	vperm.xlane v4, v16;
	v20 =	vperm.xlane v4, v20  }
.LBB2_15:
0x5c: {  	s17 =	sadd.s32 $0x40, s17  }
0x5d: {  	p0 =	sne.s32 s17, $0x830  }
.Ltmp8:
0x5e: {  	_ = 	snop;
	(pc) =	sbr.rel @!p0 .LBB2_16-.Ltmp8, $3  }
0x5f: {  	_ =	sdelay $0x1  }
0x60: {  	s18 =	sadd.s32 $0x40, s18  }
0x61: {  	s19 =	sadd.s32 $0x40, s19;
	s20 =	sadd.s32 $0x40, s20;
	s21 =	sadd.s32 $0x40, s21  }
.LBB2_6:
0x62: {  	v33 =	vld [tilespmem:s19+$0xFFFFFFE0]  }
0x63: {  	v34 =	vld [tilespmem:s20+$0xFFFFFFE0]  }
0x64: {  	v35 =	vld [tilespmem:s21+$0xFFFFFFE0];
	_ =	sdelay $0x3  }
0x65: {  	v63 =	vld [tilespmem:s19+$0xFFFFFFF0];
	v36 =	vmul.f32 v33, v5  }
0x66: {  	v49 =	vld [tilespmem:s20+$0xFFFFFFF0];
	v37 =	vmul.f32 v34, v6;
	v38 =	vmul.f32 v35, v7  }
0x67: {  	v39 =	vmul.f32 v33, v9;
	v40 =	vmul.f32 v34, v10  }
0x68: {  	v41 =	vmul.f32 v35, v11;
	v57 =	vmul.f32 v33, v13  }
0x69: {  	v42 =	vmul.f32 v34, v14;
	v33 =	vmul.f32 v33, v17  }
0x6a: {  	v34 =	vmul.f32 v34, v18;
	v58 =	vmul.f32 v35, v15  }
0x6b: {  	v54 =	vmul.f32 v63, v9;
	v55 =	vmul.f32 v49, v10;
	v36 =	vadd.f32 v37, v36  }
0x6c: {  	v60 =	vmul.f32 v35, v19;
	v39 =	vadd.f32 v40, v39;
	v37 =	vadd.f32 v42, v57  }
0x6d: {  	v44 =	vmul.f32 v49, v14;
	v33 =	vadd.f32 v34, v33;
	v40 =	vadd.f32 v55, v54  }
0x6e: {  	v50 =	vld [tilespmem:s21+$0xFFFFFFF0];
	v57 =	vmul.f32 v63, v13;
	v36 =	vadd.f32 v38, v36;
	v39 =	vadd.f32 v41, v39  }
0x6f: {  	v34 =	vmul.f32 v49, v18;
	v62 =	vadd.f32 v58, v37;
	v33 =	vadd.f32 v60, v33  }
0x70: {  	v59 =	vld [tilespmem:s18+$0xFFFFFFE0];
	v58 =	vmul.f32 v63, v17;
	v60 =	vadd.f32 v44, v57;
	v61 =	vadd.f32 v36, v36  }
0x71: {  	v48 =	vadd.f32 v39, v39;
	v36 =	vadd.f32 v62, v62  }
0x72: {  	v52 =	vmul.f32 v63, v5;
	v33 =	vadd.f32 v33, v33;
	v34 =	vadd.f32 v34, v58  }
0x73: {  	v62 =	vmul.f32 v50, v19;
	v35 =	vsub.f32 v8, v61;
	v37 =	vsub.f32 v12, v48  }
0x74: {  	v53 =	vmul.f32 v49, v6;
	v63 =	vld [tilespmem:s19+$0x0];
	v51 =	vsub.f32 v16, v36;
	v33 =	vsub.f32 v20, v33  }
0x75: {  	v43 =	vmul.f32 v50, v11;
	v34 =	vadd.f32 v62, v34;
	v45 =	vadd.f32 v35, v59  }
0x76: {  	v47 =	vld [tilespmem:s18+$0xFFFFFFF0];
	v61 =	vmul.f32 v50, v15;
	v41 =	vadd.f32 v37, v59;
	v37 =	vadd.f32 v51, v59  }
0x77: {  	v56 =	vmul.f32 v50, v7;
	v33 =	vadd.f32 v33, v59;
	v35 =	vadd.f32 v53, v52;
	v52 =	vld [tilespmem:s20+$0x0]  }
0x78: {  	v59 =	vadd.f32 v43, v40;
	v40 =	vadd.f32 v61, v60;
	v53 =	vld [tilespmem:s21+$0x0]  }
0x79: {  	v55 =	vmul.f32 v63, v5;
	v34 =	vadd.f32 v34, v34;
	v35 =	vadd.f32 v56, v35  }
0x7a: {  	v48 =	vmul.f32 v63, v9;
	v38 =	vadd.f32 v59, v59;
	v40 =	vadd.f32 v40, v40  }
0x7b: {  	v39 =	vmul.f32 v63, v17;
	v34 =	vsub.f32 v20, v34;
	v35 =	vadd.f32 v35, v35  }
0x7c: {  	v59 =	vmul.f32 v63, v13;
	v38 =	vsub.f32 v12, v38;
	v54 =	vsub.f32 v16, v40  }
0x7d: {  	v34 =	vadd.f32 v34, v47;
	v56 =	vmul.f32 v52, v6;
	v57 =	vmul.f32 v53, v7  }
0x7e: {  	v44 =	vld [tilespmem:s20+$0x10];
	v58 =	vmul.f32 v52, v10;
	v50 =	vmul.f32 v52, v14;
	v35 =	vsub.f32 v8, v35  }
0x7f: {  	v63 =	vld [tilespmem:s19+$0x10];
	v43 =	vmul.f32 v52, v18;
	v42 =	vadd.f32 v38, v47;
	v38 =	vadd.f32 v54, v47  }
0x80: {  	v62 =	vmul.f32 v53, v15;
	v40 =	vadd.f32 v56, v55;
	v61 =	vadd.f32 v50, v59  }
0x81: {  	v36 =	vmul.f32 v53, v19;
	v39 =	vadd.f32 v43, v39;
	v46 =	vadd.f32 v35, v47  }
0x82: {  	v49 =	vmul.f32 v53, v11;
	v47 =	vadd.f32 v58, v48;
	v35 =	vadd.f32 v57, v40  }
0x83: {  	v60 =	vld [tilespmem:s18+$0x0];
	v51 =	vmul.f32 v44, v6;
	v40 =	vadd.f32 v62, v61;
	v36 =	vadd.f32 v36, v39  }
0x84: {  	v50 =	vld [tilespmem:s21+$0x10];
	v59 =	vmul.f32 v63, v5;
	v47 =	vadd.f32 v49, v47;
	v35 =	vadd.f32 v35, v35  }
0x85: {  	v53 =	vmul.f32 v44, v14;
	v56 =	vadd.f32 v40, v40;
	v36 =	vadd.f32 v36, v36  }
0x86: {  	v61 =	vmul.f32 v44, v10;
	v40 =	vadd.f32 v51, v59;
	v55 =	vadd.f32 v47, v47  }
0x87: {  	v62 =	vmul.f32 v63, v13;
	v35 =	vsub.f32 v8, v35;
	v58 =	vsub.f32 v16, v56  }
0x88: {  	v44 =	vmul.f32 v44, v18;
	v36 =	vsub.f32 v20, v36;
	v57 =	vsub.f32 v12, v55  }
0x89: {  	v52 =	vmul.f32 v50, v7;
	v47 =	vadd.f32 v35, v60;
	v39 =	vadd.f32 v58, v60  }
0x8a: {  	v35 =	vadd.f32 v36, v60;
	v43 =	vadd.f32 v57, v60;
	v60 =	vmul.f32 v63, v9  }
0x8b: {  	v51 =	vadd.f32 v53, v62;
	v40 =	vadd.f32 v52, v40;
	v63 =	vmul.f32 v63, v17  }
0x8c: {  	v59 =	vld [tilespmem:s18+$0x10];
	v56 =	vmul.f32 v50, v11;
	v57 =	vmul.f32 v50, v15;
	v36 =	vadd.f32 v61, v60  }
0x8d: {  	v58 =	vmul.f32 v50, v19;
	v40 =	vadd.f32 v40, v40;
	v44 =	vadd.f32 v44, v63  }
0x8e: {  	v60 =	vadd.f32 v57, v51;
	v36 =	vadd.f32 v56, v36  }
0x8f: {  	v40 =	vsub.f32 v8, v40;
	v44 =	vadd.f32 v58, v44  }
0x90: {  	v61 =	vadd.f32 v60, v60;
	v36 =	vadd.f32 v36, v36  }
0x91: {  	v63 =	vmin.f32 v45, v46;
	v48 =	vadd.f32 v40, v59;
	v44 =	vadd.f32 v44, v44  }
0x92: {  	v55 =	vmin.f32 v63, v47;
	v49 =	vsub.f32 v16, v61;
	v36 =	vsub.f32 v12, v36  }
0x93: {  	v56 =	vmin.f32 v41, v42;
	v58 =	vmin.f32 v37, v38;
	v62 =	vsub.f32 v20, v44  }
0x94: {  	v40 =	vadd.f32 v49, v59;
	v49 =	vmin.f32 v55, v48;
	v44 =	vadd.f32 v36, v59  }
0x95: {  	v57 =	vmin.f32 v56, v43;
	v50 =	vmin.f32 v58, v39;
	vm3 =	vlt.f32 v49, v32  }
0x96: {  	v36 =	vadd.f32 v62, v59;
	v59 =	vmin.f32 v33, v34;
	v49 =	vmin.f32 v57, v44  }
0x97: {  	v60 =	vmin.f32 v50, v40;
	v61 =	vmin.f32 v59, v35;
	vm2 =	vlt.f32 v49, v31  }
0x98: {  	vm1 =	vlt.f32 v60, v30;
	v62 =	vmin.f32 v61, v36;
	vm0 =	vmor vm3, vm2  }
0x99: {  	vm4 =	vmor vm1, vm0;
	vm0 =	vlt.f32 v62, v29  }
0x9a: {  	vm4 =	vmor vm0, vm4  }
0x9b: {  	v63 =	vmpcnt.ones.xlane vm4;
	_ =	sdelay $0x1  }
0x9c: {  	(v2sf) =	vpush v63, $0x0;
	_ =	sdelay $0xe  }
0x9d: {  	s22 =	spop (v2sf)  }
0x9e: {  	p0 =	slt.s32 s22, $0x1  }
.Ltmp9:
0x9f: {  	_ = 	snop;
	(pc) =	sbr.rel @p0 .LBB2_15-.Ltmp9, $1  }
0xa0: {  	_ =	sdelay $0x3  }
0xa1: {  	v49 =	vmpcnt.ones.xlane vm3;
	_ =	sdelay $0x1  }
0xa2: {  	(v2sf) =	vpush v49, $0x0;
	_ =	sdelay $0xe  }
0xa3: {  	s22 =	spop (v2sf)  }
0xa4: {  	p0 =	slt.s32 s22, $0x1  }
.Ltmp10:
0xa5: {  	_ = 	snop;
	(pc) =	sbr.rel @p0 .LBB2_9-.Ltmp10, $2  }
0xa6: {  	_ =	sdelay $0x2  }
0xa7: {  	s24 =	sadd.s32 $0xFFFFFFD0, s17;
	s23 =	sadd.s32 $0xFFFFFFE0, s17;
	s22 =	sadd.s32 $0xFFFFFFF0, s17  }
0xa8: {  	vm3 =	vlt.f32 v45, v32  }
0xa9: {  	v49 =	vmpcnt.ones.xlane vm3;
	_ =	sdelay $0x1  }
0xaa: {  	(v2sf) =	vpush v49, $0x0;
	_ =	sdelay $0xe  }
0xab: {  	s25 =	spop (v2sf)  }
0xac: {  	p1 =	slt.s32 s25, $0x1  }
0xad: {  	v49 =	vlaneseq.u32 @!p1  }
0xae: {  	v50 =	vor.u32 @!p1 s24, v49  }
0xaf: {  	(xrf1) =	vsort.ascd.msk.f32 @!p1 $0xffff, v45, v50;
	_ =	sdelay $0xb  }
0xb0: {  	v45 =	vmul.u32 @!p1 $0xFFFFFFFF, v49;
	_ =	sdelay $0x1  }
0xb1: {  	v45 =	vadd.s32 @!p1 $0xF, v45;
	v49, v50, _ =	vpop @!p1 (xrf1)  }
0xb2: {  	v49 =	vperm.xlane @!p1 v49, v45;
	v45 =	vperm.xlane @!p1 v50, v45;
	_ =	sdelay $0x1  }
0xb3: {  	vm3 =	veq.f32 @!p1 v28, v49;
	vm4 =	vlt.s32 @!p1 v27, v45  }
0xb4: {  	vm5 =	vlt.f32 @!p1 v28, v49;
	vm3 =	vmand @!p1 vm3, vm4  }
0xb5: {  	vm3 =	vmor @!p1 vm5, vm3  }
0xb6: {  	v49 =	vsel @!p1 vm3, v28, v49;
	v45 =	vsel @!p1 vm3, v27, v45  }
0xb7: {  	(xrf1) =	vsort.ascd.msk.f32 @!p1 $0xffff, v49, v45;
	_ =	sdelay $0xd  }
0xb8: {  	v50 =	vimm.s32 @!p1 $0xF;
	v45, v49, _ =	vpop @!p1 (xrf1)  }
0xb9: {  	v50 =	vperm.xlane @!p1 v45, v50;
	_ =	sdelay $0x1  }
0xba: {  	v60 =	vpsel p1, v32, v50  }
0xbb: {  	vm3 =	vlt.f32 v46, v60  }
0xbc: {  	v61 =	vmpcnt.ones.xlane vm3;
	_ =	sdelay $0x1  }
0xbd: {  	(v2sf) =	vpush v61, $0x0;
	_ =	sdelay $0xe  }
0xbe: {  	s29 =	spop (v2sf)  }
0xbf: {  	p0 =	slt.s32 s29, $0x1  }
0xc0: {  	v50 =	vlaneseq.u32 @!p0  }
0xc1: {  	v51 =	vor.u32 @!p0 s23, v50  }
0xc2: {  	(xrf1) =	vsort.ascd.msk.f32 @!p0 $0xffff, v46, v51;
	_ =	sdelay $0xb  }
0xc3: {  	v46 =	vmul.u32 @!p0 $0xFFFFFFFF, v50;
	_ =	sdelay $0x1  }
0xc4: {  	v46 =	vadd.s32 @!p0 $0xF, v46;
	v50, v51, _ =	vpop @!p0 (xrf1)  }
0xc5: {  	v50 =	vperm.xlane @!p0 v50, v46;
	v46 =	vperm.xlane @!p0 v51, v46  }
0xc6: {  	v28 =	vpsel p1, v28, v45;
	v27 =	vpsel p1, v27, v49  }
0xc7: {  	vm3 =	veq.f32 @!p0 v28, v50;
	vm4 =	vlt.s32 @!p0 v27, v46  }
0xc8: {  	vm5 =	vlt.f32 @!p0 v28, v50;
	vm3 =	vmand @!p0 vm3, vm4  }
0xc9: {  	vm3 =	vmor @!p0 vm5, vm3  }
0xca: {  	v45 =	vsel @!p0 vm3, v28, v50;
	v46 =	vsel @!p0 vm3, v27, v46  }
0xcb: {  	(xrf1) =	vsort.ascd.msk.f32 @!p0 $0xffff, v45, v46;
	_ =	sdelay $0xd  }
0xcc: {  	v49 =	vimm.s32 @!p0 $0xF;
	v45, v46, _ =	vpop @!p0 (xrf1)  }
0xcd: {  	v49 =	vperm.xlane @!p0 v45, v49;
	_ =	sdelay $0x1  }
0xce: {  	v32 =	vpsel p0, v60, v49  }
0xcf: {  	vm3 =	vlt.f32 v47, v32  }
0xd0: {  	v62 =	vmpcnt.ones.xlane vm3;
	_ =	sdelay $0x1  }
0xd1: {  	(v2sf) =	vpush v62, $0x0;
	_ =	sdelay $0xe  }
0xd2: {  	s30 =	spop (v2sf)  }
0xd3: {  	p1 =	slt.s32 s30, $0x1  }
0xd4: {  	v49 =	vlaneseq.u32 @!p1  }
0xd5: {  	v50 =	vor.u32 @!p1 s22, v49  }
0xd6: {  	(xrf1) =	vsort.ascd.msk.f32 @!p1 $0xffff, v47, v50;
	_ =	sdelay $0xb  }
0xd7: {  	v47 =	vmul.u32 @!p1 $0xFFFFFFFF, v49;
	_ =	sdelay $0x1  }
0xd8: {  	v47 =	vadd.s32 @!p1 $0xF, v47;
	v49, v50, _ =	vpop @!p1 (xrf1)  }
0xd9: {  	v49 =	vperm.xlane @!p1 v49, v47;
	v47 =	vperm.xlane @!p1 v50, v47  }
0xda: {  	v28 =	vpsel p0, v28, v45;
	v27 =	vpsel p0, v27, v46  }
0xdb: {  	vm3 =	veq.f32 @!p1 v28, v49;
	vm4 =	vlt.s32 @!p1 v27, v47  }
0xdc: {  	vm5 =	vlt.f32 @!p1 v28, v49;
	vm3 =	vmand @!p1 vm3, vm4  }
0xdd: {  	vm3 =	vmor @!p1 vm5, vm3  }
0xde: {  	v45 =	vsel @!p1 vm3, v28, v49;
	v46 =	vsel @!p1 vm3, v27, v47  }
0xdf: {  	(xrf1) =	vsort.ascd.msk.f32 @!p1 $0xffff, v45, v46;
	_ =	sdelay $0xd  }
0xe0: {  	v47 =	vimm.s32 @!p1 $0xF;
	v45, v46, _ =	vpop @!p1 (xrf1)  }
0xe1: {  	v47 =	vperm.xlane @!p1 v45, v47;
	_ =	sdelay $0x1  }
0xe2: {  	v32 =	vpsel p1, v32, v47  }
0xe3: {  	vm3 =	vlt.f32 v48, v32  }
0xe4: {  	v63 =	vmpcnt.ones.xlane vm3;
	_ =	sdelay $0x1  }
0xe5: {  	(v2sf) =	vpush v63, $0x0;
	_ =	sdelay $0xe  }
0xe6: {  	s31 =	spop (v2sf)  }
0xe7: {  	p0 =	slt.s32 s31, $0x1  }
0xe8: {  	v47 =	vlaneseq.u32 @!p0  }
0xe9: {  	v49 =	vor.u32 @!p0 s17, v47  }
0xea: {  	(xrf1) =	vsort.ascd.msk.f32 @!p0 $0xffff, v48, v49;
	_ =	sdelay $0xb  }
0xeb: {  	v47 =	vmul.u32 @!p0 $0xFFFFFFFF, v47;
	_ =	sdelay $0x1  }
0xec: {  	v47 =	vadd.s32 @!p0 $0xF, v47;
	v48, v49, _ =	vpop @!p0 (xrf1)  }
0xed: {  	v48 =	vperm.xlane @!p0 v48, v47;
	v47 =	vperm.xlane @!p0 v49, v47  }
0xee: {  	v28 =	vpsel p1, v28, v45;
	v27 =	vpsel p1, v27, v46  }
0xef: {  	vm3 =	veq.f32 @!p0 v28, v48;
	vm4 =	vlt.s32 @!p0 v27, v47  }
0xf0: {  	vm5 =	vlt.f32 @!p0 v28, v48;
	vm3 =	vmand @!p0 vm3, vm4  }
0xf1: {  	vm3 =	vmor @!p0 vm5, vm3  }
0xf2: {  	v45 =	vsel @!p0 vm3, v28, v48;
	v46 =	vsel @!p0 vm3, v27, v47  }
0xf3: {  	(xrf1) =	vsort.ascd.msk.f32 @!p0 $0xffff, v45, v46;
	_ =	sdelay $0xd  }
0xf4: {  	v47 =	vimm.s32 @!p0 $0xF;
	v45, v46, _ =	vpop @!p0 (xrf1)  }
0xf5: {  	v47 =	vperm.xlane @!p0 v45, v47;
	_ =	sdelay $0x1  }
0xf6: {  	v28 =	vpsel p0, v28, v45;
	v27 =	vpsel p0, v27, v46;
	v32 =	vpsel p0, v32, v47  }
.LBB2_9:
0xf7: {  	v45 =	vmpcnt.ones.xlane vm2;
	_ =	sdelay $0x1  }
0xf8: {  	(v2sf) =	vpush v45, $0x0;
	_ =	sdelay $0xe  }
0xf9: {  	s25 =	spop (v2sf)  }
0xfa: {  	p0 =	slt.s32 s25, $0x1  }
.Ltmp11:
0xfb: {  	_ = 	snop;
	(pc) =	sbr.rel @p0 .LBB2_11-.Ltmp11, $1  }
0xfc: {  	_ =	sdelay $0x3  }
0xfd: {  	vm2 =	vlt.f32 v41, v31  }
0xfe: {  	v45 =	vmpcnt.ones.xlane vm2;
	_ =	sdelay $0x1  }
0xff: {  	(v2sf) =	vpush v45, $0x0;
	_ =	sdelay $0xe  }
0x100: {  	s25 =	spop (v2sf)  }
0x101: {  	p1 =	slt.s32 s25, $0x1  }
0x102: {  	v45 =	vlaneseq.u32 @!p1  }
0x103: {  	v46 =	vor.u32 @!p1 s24, v45  }
0x104: {  	(xrf1) =	vsort.ascd.msk.f32 @!p1 $0xffff, v41, v46;
	_ =	sdelay $0xb  }
0x105: {  	v41 =	vmul.u32 @!p1 $0xFFFFFFFF, v45;
	_ =	sdelay $0x1  }
0x106: {  	v41 =	vadd.s32 @!p1 $0xF, v41;
	v45, v46, _ =	vpop @!p1 (xrf1)  }
0x107: {  	v45 =	vperm.xlane @!p1 v45, v41;
	v41 =	vperm.xlane @!p1 v46, v41;
	_ =	sdelay $0x1  }
0x108: {  	vm2 =	veq.f32 @!p1 v26, v45;
	vm3 =	vlt.s32 @!p1 v24, v41  }
0x109: {  	vm4 =	vlt.f32 @!p1 v26, v45;
	vm2 =	vmand @!p1 vm2, vm3  }
0x10a: {  	vm2 =	vmor @!p1 vm4, vm2  }
0x10b: {  	v45 =	vsel @!p1 vm2, v26, v45;
	v41 =	vsel @!p1 vm2, v24, v41  }
0x10c: {  	(xrf1) =	vsort.ascd.msk.f32 @!p1 $0xffff, v45, v41;
	_ =	sdelay $0xd  }
0x10d: {  	v46 =	vimm.s32 @!p1 $0xF;
	v41, v45, _ =	vpop @!p1 (xrf1)  }
0x10e: {  	v46 =	vperm.xlane @!p1 v41, v46;
	_ =	sdelay $0x1  }
0x10f: {  	v31 =	vpsel p1, v31, v46  }
0x110: {  	vm2 =	vlt.f32 v42, v31  }
0x111: {  	v61 =	vmpcnt.ones.xlane vm2;
	_ =	sdelay $0x1  }
0x112: {  	(v2sf) =	vpush v61, $0x0;
	_ =	sdelay $0xe  }
0x113: {  	s29 =	spop (v2sf)  }
0x114: {  	p0 =	slt.s32 s29, $0x1  }
0x115: {  	v46 =	vlaneseq.u32 @!p0  }
0x116: {  	v47 =	vor.u32 @!p0 s23, v46  }
0x117: {  	(xrf1) =	vsort.ascd.msk.f32 @!p0 $0xffff, v42, v47;
	_ =	sdelay $0xb  }
0x118: {  	v42 =	vmul.u32 @!p0 $0xFFFFFFFF, v46;
	_ =	sdelay $0x1  }
0x119: {  	v42 =	vadd.s32 @!p0 $0xF, v42;
	v46, v47, _ =	vpop @!p0 (xrf1)  }
0x11a: {  	v46 =	vperm.xlane @!p0 v46, v42;
	v42 =	vperm.xlane @!p0 v47, v42  }
0x11b: {  	v26 =	vpsel p1, v26, v41;
	v24 =	vpsel p1, v24, v45  }
0x11c: {  	vm2 =	veq.f32 @!p0 v26, v46;
	vm3 =	vlt.s32 @!p0 v24, v42  }
0x11d: {  	vm4 =	vlt.f32 @!p0 v26, v46;
	vm2 =	vmand @!p0 vm2, vm3  }
0x11e: {  	vm2 =	vmor @!p0 vm4, vm2  }
0x11f: {  	v41 =	vsel @!p0 vm2, v26, v46;
	v42 =	vsel @!p0 vm2, v24, v42  }
0x120: {  	(xrf1) =	vsort.ascd.msk.f32 @!p0 $0xffff, v41, v42;
	_ =	sdelay $0xd  }
0x121: {  	v45 =	vimm.s32 @!p0 $0xF;
	v41, v42, _ =	vpop @!p0 (xrf1)  }
0x122: {  	v45 =	vperm.xlane @!p0 v41, v45;
	_ =	sdelay $0x1  }
0x123: {  	v31 =	vpsel p0, v31, v45  }
0x124: {  	vm2 =	vlt.f32 v43, v31  }
0x125: {  	v62 =	vmpcnt.ones.xlane vm2;
	_ =	sdelay $0x1  }
0x126: {  	(v2sf) =	vpush v62, $0x0;
	_ =	sdelay $0xe  }
0x127: {  	s30 =	spop (v2sf)  }
0x128: {  	p1 =	slt.s32 s30, $0x1  }
0x129: {  	v45 =	vlaneseq.u32 @!p1  }
0x12a: {  	v46 =	vor.u32 @!p1 s22, v45  }
0x12b: {  	(xrf1) =	vsort.ascd.msk.f32 @!p1 $0xffff, v43, v46;
	_ =	sdelay $0xb  }
0x12c: {  	v43 =	vmul.u32 @!p1 $0xFFFFFFFF, v45;
	_ =	sdelay $0x1  }
0x12d: {  	v43 =	vadd.s32 @!p1 $0xF, v43;
	v45, v46, _ =	vpop @!p1 (xrf1)  }
0x12e: {  	v45 =	vperm.xlane @!p1 v45, v43;
	v43 =	vperm.xlane @!p1 v46, v43  }
0x12f: {  	v26 =	vpsel p0, v26, v41;
	v24 =	vpsel p0, v24, v42  }
0x130: {  	vm2 =	veq.f32 @!p1 v26, v45;
	vm3 =	vlt.s32 @!p1 v24, v43  }
0x131: {  	vm4 =	vlt.f32 @!p1 v26, v45;
	vm2 =	vmand @!p1 vm2, vm3  }
0x132: {  	vm2 =	vmor @!p1 vm4, vm2  }
0x133: {  	v41 =	vsel @!p1 vm2, v26, v45;
	v42 =	vsel @!p1 vm2, v24, v43  }
0x134: {  	(xrf1) =	vsort.ascd.msk.f32 @!p1 $0xffff, v41, v42;
	_ =	sdelay $0xd  }
0x135: {  	v43 =	vimm.s32 @!p1 $0xF;
	v41, v42, _ =	vpop @!p1 (xrf1)  }
0x136: {  	v43 =	vperm.xlane @!p1 v41, v43;
	_ =	sdelay $0x1  }
0x137: {  	v31 =	vpsel p1, v31, v43  }
0x138: {  	vm2 =	vlt.f32 v44, v31  }
0x139: {  	v63 =	vmpcnt.ones.xlane vm2;
	_ =	sdelay $0x1  }
0x13a: {  	(v2sf) =	vpush v63, $0x0;
	_ =	sdelay $0xe  }
0x13b: {  	s31 =	spop (v2sf)  }
0x13c: {  	p0 =	slt.s32 s31, $0x1  }
0x13d: {  	v43 =	vlaneseq.u32 @!p0  }
0x13e: {  	v45 =	vor.u32 @!p0 s17, v43  }
0x13f: {  	(xrf1) =	vsort.ascd.msk.f32 @!p0 $0xffff, v44, v45;
	_ =	sdelay $0xb  }
0x140: {  	v43 =	vmul.u32 @!p0 $0xFFFFFFFF, v43;
	_ =	sdelay $0x1  }
0x141: {  	v43 =	vadd.s32 @!p0 $0xF, v43;
	v44, v45, _ =	vpop @!p0 (xrf1)  }
0x142: {  	v44 =	vperm.xlane @!p0 v44, v43;
	v43 =	vperm.xlane @!p0 v45, v43  }
0x143: {  	v26 =	vpsel p1, v26, v41;
	v24 =	vpsel p1, v24, v42  }
0x144: {  	vm2 =	veq.f32 @!p0 v26, v44;
	vm3 =	vlt.s32 @!p0 v24, v43  }
0x145: {  	vm4 =	vlt.f32 @!p0 v26, v44;
	vm2 =	vmand @!p0 vm2, vm3  }
0x146: {  	vm2 =	vmor @!p0 vm4, vm2  }
0x147: {  	v41 =	vsel @!p0 vm2, v26, v44;
	v42 =	vsel @!p0 vm2, v24, v43  }
0x148: {  	(xrf1) =	vsort.ascd.msk.f32 @!p0 $0xffff, v41, v42;
	_ =	sdelay $0xd  }
0x149: {  	v43 =	vimm.s32 @!p0 $0xF;
	v41, v42, _ =	vpop @!p0 (xrf1)  }
0x14a: {  	v43 =	vperm.xlane @!p0 v41, v43;
	_ =	sdelay $0x1  }
0x14b: {  	v26 =	vpsel p0, v26, v41;
	v24 =	vpsel p0, v24, v42;
	v31 =	vpsel p0, v31, v43  }
.LBB2_11:
0x14c: {  	v41 =	vmpcnt.ones.xlane vm1;
	_ =	sdelay $0x1  }
0x14d: {  	(v2sf) =	vpush v41, $0x0;
	_ =	sdelay $0xe  }
0x14e: {  	s25 =	spop (v2sf)  }
0x14f: {  	p0 =	slt.s32 s25, $0x1  }
.Ltmp12:
0x150: {  	_ = 	snop;
	(pc) =	sbr.rel @p0 .LBB2_13-.Ltmp12, $1  }
0x151: {  	_ =	sdelay $0x3  }
0x152: {  	vm1 =	vlt.f32 v37, v30  }
0x153: {  	v41 =	vmpcnt.ones.xlane vm1;
	_ =	sdelay $0x1  }
0x154: {  	(v2sf) =	vpush v41, $0x0;
	_ =	sdelay $0xe  }
0x155: {  	s25 =	spop (v2sf)  }
0x156: {  	p1 =	slt.s32 s25, $0x1  }
0x157: {  	v41 =	vlaneseq.u32 @!p1  }
0x158: {  	v42 =	vor.u32 @!p1 s24, v41  }
0x159: {  	(xrf1) =	vsort.ascd.msk.f32 @!p1 $0xffff, v37, v42;
	_ =	sdelay $0xb  }
0x15a: {  	v37 =	vmul.u32 @!p1 $0xFFFFFFFF, v41;
	_ =	sdelay $0x1  }
0x15b: {  	v37 =	vadd.s32 @!p1 $0xF, v37;
	v41, v42, _ =	vpop @!p1 (xrf1)  }
0x15c: {  	v41 =	vperm.xlane @!p1 v41, v37;
	v37 =	vperm.xlane @!p1 v42, v37;
	_ =	sdelay $0x1  }
0x15d: {  	vm1 =	veq.f32 @!p1 v25, v41;
	vm2 =	vlt.s32 @!p1 v22, v37  }
0x15e: {  	vm3 =	vlt.f32 @!p1 v25, v41;
	vm1 =	vmand @!p1 vm1, vm2  }
0x15f: {  	vm1 =	vmor @!p1 vm3, vm1  }
0x160: {  	v41 =	vsel @!p1 vm1, v25, v41;
	v37 =	vsel @!p1 vm1, v22, v37  }
0x161: {  	(xrf1) =	vsort.ascd.msk.f32 @!p1 $0xffff, v41, v37;
	_ =	sdelay $0xd  }
0x162: {  	v42 =	vimm.s32 @!p1 $0xF;
	v37, v41, _ =	vpop @!p1 (xrf1)  }
0x163: {  	v42 =	vperm.xlane @!p1 v37, v42;
	_ =	sdelay $0x1  }
0x164: {  	v30 =	vpsel p1, v30, v42  }
0x165: {  	vm1 =	vlt.f32 v38, v30  }
0x166: {  	v61 =	vmpcnt.ones.xlane vm1;
	_ =	sdelay $0x1  }
0x167: {  	(v2sf) =	vpush v61, $0x0;
	_ =	sdelay $0xe  }
0x168: {  	s29 =	spop (v2sf)  }
0x169: {  	p0 =	slt.s32 s29, $0x1  }
0x16a: {  	v42 =	vlaneseq.u32 @!p0  }
0x16b: {  	v43 =	vor.u32 @!p0 s23, v42  }
0x16c: {  	(xrf1) =	vsort.ascd.msk.f32 @!p0 $0xffff, v38, v43;
	_ =	sdelay $0xb  }
0x16d: {  	v38 =	vmul.u32 @!p0 $0xFFFFFFFF, v42;
	_ =	sdelay $0x1  }
0x16e: {  	v38 =	vadd.s32 @!p0 $0xF, v38;
	v42, v43, _ =	vpop @!p0 (xrf1)  }
0x16f: {  	v42 =	vperm.xlane @!p0 v42, v38;
	v38 =	vperm.xlane @!p0 v43, v38  }
0x170: {  	v25 =	vpsel p1, v25, v37;
	v22 =	vpsel p1, v22, v41  }
0x171: {  	vm1 =	veq.f32 @!p0 v25, v42;
	vm2 =	vlt.s32 @!p0 v22, v38  }
0x172: {  	vm3 =	vlt.f32 @!p0 v25, v42;
	vm1 =	vmand @!p0 vm1, vm2  }
0x173: {  	vm1 =	vmor @!p0 vm3, vm1  }
0x174: {  	v37 =	vsel @!p0 vm1, v25, v42;
	v38 =	vsel @!p0 vm1, v22, v38  }
0x175: {  	(xrf1) =	vsort.ascd.msk.f32 @!p0 $0xffff, v37, v38;
	_ =	sdelay $0xd  }
0x176: {  	v41 =	vimm.s32 @!p0 $0xF;
	v37, v38, _ =	vpop @!p0 (xrf1)  }
0x177: {  	v41 =	vperm.xlane @!p0 v37, v41;
	_ =	sdelay $0x1  }
0x178: {  	v30 =	vpsel p0, v30, v41  }
0x179: {  	vm1 =	vlt.f32 v39, v30  }
0x17a: {  	v62 =	vmpcnt.ones.xlane vm1;
	_ =	sdelay $0x1  }
0x17b: {  	(v2sf) =	vpush v62, $0x0;
	_ =	sdelay $0xe  }
0x17c: {  	s30 =	spop (v2sf)  }
0x17d: {  	p1 =	slt.s32 s30, $0x1  }
0x17e: {  	v41 =	vlaneseq.u32 @!p1  }
0x17f: {  	v42 =	vor.u32 @!p1 s22, v41  }
0x180: {  	(xrf1) =	vsort.ascd.msk.f32 @!p1 $0xffff, v39, v42;
	_ =	sdelay $0xb  }
0x181: {  	v39 =	vmul.u32 @!p1 $0xFFFFFFFF, v41;
	_ =	sdelay $0x1  }
0x182: {  	v39 =	vadd.s32 @!p1 $0xF, v39;
	v41, v42, _ =	vpop @!p1 (xrf1)  }
0x183: {  	v41 =	vperm.xlane @!p1 v41, v39;
	v39 =	vperm.xlane @!p1 v42, v39  }
0x184: {  	v25 =	vpsel p0, v25, v37;
	v22 =	vpsel p0, v22, v38  }
0x185: {  	vm1 =	veq.f32 @!p1 v25, v41;
	vm2 =	vlt.s32 @!p1 v22, v39  }
0x186: {  	vm3 =	vlt.f32 @!p1 v25, v41;
	vm1 =	vmand @!p1 vm1, vm2  }
0x187: {  	vm1 =	vmor @!p1 vm3, vm1  }
0x188: {  	v37 =	vsel @!p1 vm1, v25, v41;
	v38 =	vsel @!p1 vm1, v22, v39  }
0x189: {  	(xrf1) =	vsort.ascd.msk.f32 @!p1 $0xffff, v37, v38;
	_ =	sdelay $0xd  }
0x18a: {  	v39 =	vimm.s32 @!p1 $0xF;
	v37, v38, _ =	vpop @!p1 (xrf1)  }
0x18b: {  	v39 =	vperm.xlane @!p1 v37, v39;
	_ =	sdelay $0x1  }
0x18c: {  	v30 =	vpsel p1, v30, v39  }
0x18d: {  	vm1 =	vlt.f32 v40, v30  }
0x18e: {  	v63 =	vmpcnt.ones.xlane vm1;
	_ =	sdelay $0x1  }
0x18f: {  	(v2sf) =	vpush v63, $0x0;
	_ =	sdelay $0xe  }
0x190: {  	s31 =	spop (v2sf)  }
0x191: {  	p0 =	slt.s32 s31, $0x1  }
0x192: {  	v39 =	vlaneseq.u32 @!p0  }
0x193: {  	v41 =	vor.u32 @!p0 s17, v39  }
0x194: {  	(xrf1) =	vsort.ascd.msk.f32 @!p0 $0xffff, v40, v41;
	_ =	sdelay $0xb  }
0x195: {  	v39 =	vmul.u32 @!p0 $0xFFFFFFFF, v39;
	_ =	sdelay $0x1  }
0x196: {  	v39 =	vadd.s32 @!p0 $0xF, v39;
	v40, v41, _ =	vpop @!p0 (xrf1)  }
0x197: {  	v40 =	vperm.xlane @!p0 v40, v39;
	v39 =	vperm.xlane @!p0 v41, v39  }
0x198: {  	v25 =	vpsel p1, v25, v37;
	v22 =	vpsel p1, v22, v38  }
0x199: {  	vm1 =	veq.f32 @!p0 v25, v40;
	vm2 =	vlt.s32 @!p0 v22, v39  }
0x19a: {  	vm3 =	vlt.f32 @!p0 v25, v40;
	vm1 =	vmand @!p0 vm1, vm2  }
0x19b: {  	vm1 =	vmor @!p0 vm3, vm1  }
0x19c: {  	v37 =	vsel @!p0 vm1, v25, v40;
	v38 =	vsel @!p0 vm1, v22, v39  }
0x19d: {  	(xrf1) =	vsort.ascd.msk.f32 @!p0 $0xffff, v37, v38;
	_ =	sdelay $0xd  }
0x19e: {  	v39 =	vimm.s32 @!p0 $0xF;
	v37, v38, _ =	vpop @!p0 (xrf1)  }
0x19f: {  	v39 =	vperm.xlane @!p0 v37, v39;
	_ =	sdelay $0x1  }
0x1a0: {  	v25 =	vpsel p0, v25, v37;
	v22 =	vpsel p0, v22, v38;
	v30 =	vpsel p0, v30, v39  }
.LBB2_13:
0x1a1: {  	v37 =	vmpcnt.ones.xlane vm0;
	_ =	sdelay $0x1  }
0x1a2: {  	(v2sf) =	vpush v37, $0x0;
	_ =	sdelay $0xe  }
0x1a3: {  	s25 =	spop (v2sf)  }
0x1a4: {  	p0 =	slt.s32 s25, $0x1  }
.Ltmp13:
0x1a5: {  	_ = 	snop;
	(pc) =	sbr.rel @p0 .LBB2_15-.Ltmp13, $1  }
0x1a6: {  	_ =	sdelay $0x3  }
0x1a7: {  	vm0 =	vlt.f32 v33, v29  }
0x1a8: {  	v37 =	vmpcnt.ones.xlane vm0;
	_ =	sdelay $0x1  }
0x1a9: {  	(v2sf) =	vpush v37, $0x0;
	_ =	sdelay $0xe  }
0x1aa: {  	s25 =	spop (v2sf)  }
0x1ab: {  	p1 =	slt.s32 s25, $0x1  }
0x1ac: {  	v37 =	vlaneseq.u32 @!p1  }
0x1ad: {  	v38 =	vor.u32 @!p1 s24, v37  }
0x1ae: {  	(xrf1) =	vsort.ascd.msk.f32 @!p1 $0xffff, v33, v38;
	_ =	sdelay $0xb  }
0x1af: {  	v33 =	vmul.u32 @!p1 $0xFFFFFFFF, v37;
	_ =	sdelay $0x1  }
0x1b0: {  	v33 =	vadd.s32 @!p1 $0xF, v33;
	v37, v38, _ =	vpop @!p1 (xrf1)  }
0x1b1: {  	v37 =	vperm.xlane @!p1 v37, v33;
	v33 =	vperm.xlane @!p1 v38, v33;
	_ =	sdelay $0x1  }
0x1b2: {  	vm0 =	veq.f32 @!p1 v23, v37;
	vm1 =	vlt.s32 @!p1 v21, v33  }
0x1b3: {  	vm2 =	vlt.f32 @!p1 v23, v37;
	vm0 =	vmand @!p1 vm0, vm1  }
0x1b4: {  	vm0 =	vmor @!p1 vm2, vm0  }
0x1b5: {  	v37 =	vsel @!p1 vm0, v23, v37;
	v33 =	vsel @!p1 vm0, v21, v33  }
0x1b6: {  	(xrf1) =	vsort.ascd.msk.f32 @!p1 $0xffff, v37, v33;
	_ =	sdelay $0xd  }
0x1b7: {  	v38 =	vimm.s32 @!p1 $0xF;
	v33, v37, _ =	vpop @!p1 (xrf1)  }
0x1b8: {  	v38 =	vperm.xlane @!p1 v33, v38;
	_ =	sdelay $0x1  }
0x1b9: {  	v29 =	vpsel p1, v29, v38  }
0x1ba: {  	vm13 =	vlt.f32 v34, v29  }
0x1bb: {  	v61 =	vmpcnt.ones.xlane vm13;
	_ =	sdelay $0x1  }
0x1bc: {  	(v2sf) =	vpush v61, $0x0;
	_ =	sdelay $0xe  }
0x1bd: {  	s29 =	spop (v2sf)  }
0x1be: {  	p0 =	slt.s32 s29, $0x1  }
0x1bf: {  	v38 =	vlaneseq.u32 @!p0  }
0x1c0: {  	v39 =	vor.u32 @!p0 s23, v38  }
0x1c1: {  	(xrf1) =	vsort.ascd.msk.f32 @!p0 $0xffff, v34, v39;
	_ =	sdelay $0xb  }
0x1c2: {  	v34 =	vmul.u32 @!p0 $0xFFFFFFFF, v38;
	_ =	sdelay $0x1  }
0x1c3: {  	v34 =	vadd.s32 @!p0 $0xF, v34;
	v38, v39, _ =	vpop @!p0 (xrf1)  }
0x1c4: {  	v38 =	vperm.xlane @!p0 v38, v34;
	v34 =	vperm.xlane @!p0 v39, v34  }
0x1c5: {  	v23 =	vpsel p1, v23, v33;
	v21 =	vpsel p1, v21, v37  }
0x1c6: {  	vm0 =	veq.f32 @!p0 v23, v38;
	vm1 =	vlt.s32 @!p0 v21, v34  }
0x1c7: {  	vm2 =	vlt.f32 @!p0 v23, v38;
	vm0 =	vmand @!p0 vm0, vm1  }
0x1c8: {  	vm0 =	vmor @!p0 vm2, vm0  }
0x1c9: {  	v33 =	vsel @!p0 vm0, v23, v38;
	v34 =	vsel @!p0 vm0, v21, v34  }
0x1ca: {  	(xrf1) =	vsort.ascd.msk.f32 @!p0 $0xffff, v33, v34;
	_ =	sdelay $0xd  }
0x1cb: {  	v37 =	vimm.s32 @!p0 $0xF;
	v33, v34, _ =	vpop @!p0 (xrf1)  }
0x1cc: {  	v37 =	vperm.xlane @!p0 v33, v37;
	_ =	sdelay $0x1  }
0x1cd: {  	v29 =	vpsel p0, v29, v37  }
0x1ce: {  	vm14 =	vlt.f32 v35, v29  }
0x1cf: {  	v62 =	vmpcnt.ones.xlane vm14;
	_ =	sdelay $0x1  }
0x1d0: {  	(v2sf) =	vpush v62, $0x0;
	_ =	sdelay $0xe  }
0x1d1: {  	s30 =	spop (v2sf)  }
0x1d2: {  	p1 =	slt.s32 s30, $0x1  }
0x1d3: {  	v37 =	vlaneseq.u32 @!p1  }
0x1d4: {  	v38 =	vor.u32 @!p1 s22, v37  }
0x1d5: {  	(xrf1) =	vsort.ascd.msk.f32 @!p1 $0xffff, v35, v38;
	_ =	sdelay $0xb  }
0x1d6: {  	v35 =	vmul.u32 @!p1 $0xFFFFFFFF, v37;
	_ =	sdelay $0x1  }
0x1d7: {  	v35 =	vadd.s32 @!p1 $0xF, v35;
	v37, v38, _ =	vpop @!p1 (xrf1)  }
0x1d8: {  	v37 =	vperm.xlane @!p1 v37, v35;
	v35 =	vperm.xlane @!p1 v38, v35  }
0x1d9: {  	v23 =	vpsel p0, v23, v33;
	v21 =	vpsel p0, v21, v34  }
0x1da: {  	vm0 =	veq.f32 @!p1 v23, v37;
	vm1 =	vlt.s32 @!p1 v21, v35  }
0x1db: {  	vm2 =	vlt.f32 @!p1 v23, v37;
	vm0 =	vmand @!p1 vm0, vm1  }
0x1dc: {  	vm0 =	vmor @!p1 vm2, vm0  }
0x1dd: {  	v33 =	vsel @!p1 vm0, v23, v37;
	v34 =	vsel @!p1 vm0, v21, v35  }
0x1de: {  	(xrf1) =	vsort.ascd.msk.f32 @!p1 $0xffff, v33, v34;
	_ =	sdelay $0xd  }
0x1df: {  	v35 =	vimm.s32 @!p1 $0xF;
	v33, v34, _ =	vpop @!p1 (xrf1)  }
0x1e0: {  	v35 =	vperm.xlane @!p1 v33, v35;
	_ =	sdelay $0x1  }
0x1e1: {  	v29 =	vpsel p1, v29, v35  }
0x1e2: {  	vm15 =	vlt.f32 v36, v29  }
0x1e3: {  	v63 =	vmpcnt.ones.xlane vm15;
	_ =	sdelay $0x1  }
0x1e4: {  	(v2sf) =	vpush v63, $0x0;
	_ =	sdelay $0xe  }
0x1e5: {  	s31 =	spop (v2sf)  }
0x1e6: {  	p0 =	slt.s32 s31, $0x1  }
0x1e7: {  	v35 =	vlaneseq.u32 @!p0  }
0x1e8: {  	v37 =	vor.u32 @!p0 s17, v35  }
0x1e9: {  	(xrf1) =	vsort.ascd.msk.f32 @!p0 $0xffff, v36, v37;
	_ =	sdelay $0xb  }
0x1ea: {  	v35 =	vmul.u32 @!p0 $0xFFFFFFFF, v35;
	_ =	sdelay $0x1  }
0x1eb: {  	v35 =	vadd.s32 @!p0 $0xF, v35;
	v36, v37, _ =	vpop @!p0 (xrf1)  }
0x1ec: {  	v36 =	vperm.xlane @!p0 v36, v35;
	v35 =	vperm.xlane @!p0 v37, v35  }
0x1ed: {  	v23 =	vpsel p1, v23, v33;
	v21 =	vpsel p1, v21, v34  }
0x1ee: {  	vm0 =	veq.f32 @!p0 v23, v36;
	vm1 =	vlt.s32 @!p0 v21, v35  }
0x1ef: {  	vm2 =	vlt.f32 @!p0 v23, v36;
	vm0 =	vmand @!p0 vm0, vm1  }
0x1f0: {  	vm0 =	vmor @!p0 vm2, vm0  }
0x1f1: {  	v33 =	vsel @!p0 vm0, v23, v36;
	v34 =	vsel @!p0 vm0, v21, v35  }
0x1f2: {  	(xrf1) =	vsort.ascd.msk.f32 @!p0 $0xffff, v33, v34;
	_ =	sdelay $0xc  }
.Ltmp14:
0x1f3: {  	_ = 	snop;
	(pc) =	sbr.rel .LBB2_15-.Ltmp14, $3  }
0x1f4: {  	v35 =	vimm.s32 @!p0 $0xF;
	v33, v34, _ =	vpop @!p0 (xrf1)  }
0x1f5: {  	v35 =	vperm.xlane @!p0 v33, v35;
	_ =	sdelay $0x1  }
0x1f6: {  	v23 =	vpsel p0, v23, v33;
	v21 =	vpsel p0, v21, v34;
	v29 =	vpsel p0, v29, v35  }
.LBB2_19:
0x1f7: {  	_ =	sfence.sel $0x180000  }
0x1f8: {  	[bflag:$0x0] =	sbarrier.arrive $0xFFFF  }
0x1f9: {  	p0 =	sne.s32 s1, $0x0;
	_ =	strace $0x90000047  }
0x1fa: {  	s0 =	sadd.s32 @!p0 $0x100000, s0;
	[bflag:$0x2] =	sbarrier.arrive $0xFFFF  }
0x1fb: {  	[sflag:s0] =	ssyncadd.tile.s32 @!p0 $0x1;
	_ =	shalt  }
.Lfunc_end2:
_tile_overlayer_lowered:
.L_overlay_start_2:
0x1fc: {  	(tag) =	ssettag $0x2  }
0x1fd: {  	s0 =	rddreg [dreg:$0x0];
	s2 =	stileid.u32  }
0x1fe: {  	s1 =	rddreg [dreg:$0x1];
	p0 =	sne.s32 s2, $0x0  }
0x1ff: {  	s3 =	rddreg [dreg:$0x2];
	[bflag:$0x3] =	sbarrier.arrive $0xFFFF;
	s2 =	simm.s32 @!p0 $0x1C01  }
0x200: {  	[timem:s3], [sflag:s2] =	dma.local @!p0 [hbm:s0], s1  }
0x201: {  	s0 =	simm.s32 @!p0 $0x1  }
0x202: {  	_ =	swait.ge @!p0 [sflag:s0], s1  }
0x203: {  	s1 =	ssub.s32 @!p0 $0x0, s1;
	[sflag:s0] =	ssyncset.done @!p0 $0x0  }
0x204: {  	[sflag:s0] =	ssyncadd.s32 @!p0 s1  }
0x205: {  	[bflag:$0x3] =	sbarrier.arrive $0xFFFF  }
0x206: {  	_ =	shalt  }

</sc_bundles>
